<compile_context>
chip_gen: v7x
topology: tpu7x:2x2x1
jax: 0.10.2.dev20260603
libtpu: 0.0.44.dev20260713+nightly
codegen_flags: <defaults>
</compile_context>

<pallas_src>
import functools

import jax
import jax.numpy as jnp
from jax import lax
from jax.experimental import pallas as pl
from jax.experimental.pallas import tpu as pltpu
from jax.experimental.pallas import tpu_sc as plsc

VOCAB = 1000000
DIM = 64
BATCH = 4096
HIST = 200

NC, NS = 2, 16
NW = NC * NS
BW = BATCH // NW
DT = DIM // 8
PITCH = DIM + 1
PITCH2 = 129



VBLK = 128
NFULL = VOCAB // VBLK
VTAIL = VOCAB - NFULL * VBLK


def _tr_body(src_hbm, tail_hbm, dst_hbm, in0, in1, rp2, ot0, ot1, sem_i0,
             sem_i1, sem_o0, sem_o1):
    wid = lax.axis_index("s") * NC + lax.axis_index("c")
    nblk = NFULL // NW + jnp.where(wid < NFULL % NW, 1, 0)

    ins = (in0, in1)
    ots = (ot0, ot1)
    sem_i = (sem_i0, sem_i1)
    sem_o = (sem_o0, sem_o1)

    lane = lax.iota(jnp.int32, 16)
    base_g = [((lane + 16 * g) % DIM) * PITCH2 + (lane + 16 * g) // DIM
              for g in range(2 * DIM // 16)]

    def v0_of(i):
        return pl.multiple_of((wid + i * NW) * VBLK, VBLK)

    def start_in(i, b):
        pltpu.async_copy(src_hbm.at[:, pl.ds(v0_of(i), VBLK)], ins[b],
                         sem_i[b])

    def start_out(i, b):
        pltpu.async_copy(
            ots[b],
            dst_hbm.at[pl.ds(pl.multiple_of(v0_of(i) // 2, DIM), DIM)],
            sem_o[b])

    def wait_in(b):
        pltpu.make_async_copy(src_hbm.at[:, pl.ds(0, VBLK)], ins[b],
                              sem_i[b]).wait()

    def wait_out(b):
        pltpu.make_async_copy(ots[b], dst_hbm.at[pl.ds(0, DIM)],
                              sem_o[b]).wait()

    def transpose(b):
        def pack(r, _):
            o = r * PITCH2
            vals = [ins[b][r, pl.ds(16 * k, 16)] for k in range(VBLK // 16)]
            for k in range(VBLK // 16):
                rp2[pl.ds(o + 16 * k, 16)] = vals[k]
            return _

        lax.fori_loop(0, DIM, pack, 0)

        def row(k, _):
            vals = [plsc.load_gather(rp2, [base_g[g] + 2 * k])
                    for g in range(2 * DIM // 16)]
            for g in range(2 * DIM // 16):
                ots[b][k, pl.ds(16 * g, 16)] = vals[g]
            return _

        lax.fori_loop(0, DIM, row, 0)

    start_in(0, 0)
    start_in(1, 1)

    def half(i, b):
        wait_in(b)

        @pl.when(i >= 2)
        def _w():
            wait_out(b)

        transpose(b)

        @pl.when(i + 2 < nblk)
        def _n():
            start_in(i + 2, b)

        start_out(i, b)

    def stepper(i, _):
        half(2 * i, 0)

        @pl.when(2 * i + 1 < nblk)
        def _b():
            half(2 * i + 1, 1)

        return _

    lax.fori_loop(0, (nblk + 1) // 2, stepper, 0)
    wait_out(0)
    wait_out(1)

    @pl.when(wid == 0)
    def _tail():
        pltpu.sync_copy(tail_hbm, in0)

        def pack(r, _):
            o = r * PITCH2
            vals = [in0[r, pl.ds(16 * k, 16)] for k in range(VBLK // 16)]
            for k in range(VBLK // 16):
                rp2[pl.ds(o + 16 * k, 16)] = vals[k]
            return _

        lax.fori_loop(0, DIM, pack, 0)
        tbase = [((lane + 16 * g) // DIM) * PITCH2 + (lane + 16 * g) % DIM
                 for g in range(2 * DIM // 16)]

        def trow(k, _):
            vals = [plsc.load_gather(rp2, [tbase[g] + 2 * k * PITCH2])
                    for g in range(2 * DIM // 16)]
            for g in range(2 * DIM // 16):
                ot0[k, pl.ds(16 * g, 16)] = vals[g]
            return _

        lax.fori_loop(0, VTAIL // 2, trow, 0)
        pltpu.sync_copy(ot0.at[pl.ds(0, VTAIL // 2)],
                        dst_hbm.at[pl.ds(NFULL * VBLK // 2, VTAIL // 2)])


@jax.jit
def _transpose_table(src, tail):
    mesh = plsc.VectorSubcoreMesh(core_axis_name="c", subcore_axis_name="s")
    return pl.kernel(
        _tr_body,
        out_type=jax.ShapeDtypeStruct((VOCAB // 2, 2 * DIM), jnp.float32),
        mesh=mesh,
        compiler_params=pltpu.CompilerParams(needs_layout_passes=False),
        scratch_types=[
            pltpu.VMEM((DIM, VBLK), jnp.float32),
            pltpu.VMEM((DIM, VBLK), jnp.float32),
            pltpu.VMEM((DIM * PITCH2,), jnp.float32),
            pltpu.VMEM((DIM, 2 * DIM), jnp.float32),
            pltpu.VMEM((DIM, 2 * DIM), jnp.float32),
            pltpu.SemaphoreType.DMA,
            pltpu.SemaphoreType.DMA,
            pltpu.SemaphoreType.DMA,
            pltpu.SemaphoreType.DMA,
        ],
    )(src, tail)


def _embed_body(idx_hbm, table_hbm, out_hbm, idx_v, rows0, rows1, rows2,
                rows3, rp, tb0, tb1, sem_g0, sem_g1, sem_g2, sem_g3, sem_o0,
                sem_o1):
    wid = lax.axis_index("s") * NC + lax.axis_index("c")
    b0 = wid * BW
    pltpu.sync_copy(idx_hbm.at[:, pl.ds(b0, BW)], idx_v)

    rows = (rows0, rows1, rows2, rows3)
    tbs = (tb0, tb1)
    sem_g = (sem_g0, sem_g1, sem_g2, sem_g3)
    sem_o = (sem_o0, sem_o1)

    lane = lax.iota(jnp.int32, 16)
    bvecs = [lane * PITCH + 16 * PITCH * g for g in range(BW // 16)]

    def start_gather(h, b):
        pltpu.async_copy(table_hbm.at[idx_v.at[h]], rows[b], sem_g[b])

    def start_out(h, t):
        pltpu.async_copy(tbs[t], out_hbm.at[h, :, wid], sem_o[t])

    def wait_gather(b):
        pltpu.make_async_copy(table_hbm.at[pl.ds(0, BW)], rows[b],
                              sem_g[b]).wait()

    def wait_out(t):
        pltpu.make_async_copy(tbs[t], out_hbm.at[0, :, wid], sem_o[t]).wait()

    def transpose(b, t):
        def pack(i, _):
            for j in range(2):
                r = 2 * i + j
                o = r * PITCH
                vals = [rows[b][r, pl.ds(16 * k, 16)]
                        for k in range(DIM // 16)]
                for k in range(DIM // 16):
                    rp[pl.ds(o + 16 * k, 16)] = vals[k]
            return _

        lax.fori_loop(0, BW // 2, pack, 0)

        def dtloop(dt, _):
            for ds in range(8):
                dvec = jnp.full((16,), 0, jnp.int32) + (dt * 8 + ds)
                vals = [plsc.load_gather(rp, [bvecs[g] + dvec])
                        for g in range(BW // 16)]
                for g in range(BW // 16):
                    tbs[t][dt, ds, pl.ds(16 * g, 16)] = vals[g]
            return _

        lax.fori_loop(0, DT, dtloop, 0)

    start_gather(0, 0)
    start_gather(1, 1)
    start_gather(2, 2)

    def quarter(h, b, t):
        wait_gather(b)

        @pl.when(h >= 2)
        def _w():
            wait_out(t)

        transpose(b, t)

        @pl.when(h + 3 < HIST)
        def _g():
            start_gather(h + 3, (b + 3) % 4)

        start_out(h, t)

    def step(i, _):
        h = 4 * i
        quarter(h, 0, 0)
        quarter(h + 1, 1, 1)
        quarter(h + 2, 2, 0)
        quarter(h + 3, 3, 1)
        return _

    lax.fori_loop(0, HIST // 4, step, 0)
    wait_out(0)
    wait_out(1)


@jax.jit
def _embed(idx_t, table):
    mesh = plsc.VectorSubcoreMesh(core_axis_name="c", subcore_axis_name="s")
    return pl.kernel(
        _embed_body,
        out_type=jax.ShapeDtypeStruct((HIST, DT, NW, 8, BW), jnp.float32),
        mesh=mesh,
        compiler_params=pltpu.CompilerParams(use_tc_tiling_on_sc=False,
                                            needs_layout_passes=False),
        scratch_types=[
            pltpu.VMEM((HIST, BW), jnp.int32),
            pltpu.VMEM((BW, DIM), jnp.float32),
            pltpu.VMEM((BW, DIM), jnp.float32),
            pltpu.VMEM((BW, DIM), jnp.float32),
            pltpu.VMEM((BW, DIM), jnp.float32),
            pltpu.VMEM((BW * PITCH,), jnp.float32),
            pltpu.VMEM((DT, 8, BW), jnp.float32),
            pltpu.VMEM((DT, 8, BW), jnp.float32),
            pltpu.SemaphoreType.DMA,
            pltpu.SemaphoreType.DMA,
            pltpu.SemaphoreType.DMA,
            pltpu.SemaphoreType.DMA,
            pltpu.SemaphoreType.DMA,
            pltpu.SemaphoreType.DMA,
        ],
    )(idx_t, table)


def kernel(inp, embeddings):
    idx_t = inp.T.astype(jnp.int32)
    emb_t = embeddings.T
    tail = jnp.pad(embeddings[VOCAB - VTAIL:, :], ((0, 0), (0, DIM)))
    t2 = _transpose_table(emb_t, tail)
    table = t2.reshape(VOCAB, DIM)
    out5 = _embed(idx_t, table)
    return out5.transpose(2, 4, 0, 1, 3).reshape(BATCH, HIST, DIM)

# --- scband reference (transcript-rebuilt; emitter-appended) ---
"""Pipeline reference for scband-embed-80049600462947 (READ-ONLY COPY).

The authoritative reference and input builder live on the scoring server;
editing this copy changes nothing except your own understanding.
"""

import jax, jax.numpy as jnp
import numpy as np

VOCAB = 1000000
DIM = 64
BATCH = 4096
HIST = 200


def setup_inputs(seed: int = 0) -> dict:
    key = jax.random.key(seed)
    k_idx, k_emb = jax.random.split(key)
    inp = jax.random.randint(k_idx, (BATCH, HIST), 0, VOCAB, dtype=jnp.int64 if jax.config.jax_enable_x64 else jnp.int32)
    embeddings = jax.random.normal(k_emb, (VOCAB, DIM), dtype=jnp.float32) * 0.01
    return {"inp": inp, "embeddings": embeddings}


def reference(inp, embeddings):
    # Embed.forward with discrete-only single group, auto_append_discrete_group_dim=True,
    # sum_continuous=True (reduce over the appended group dim).
    # discrete: [..., ] -> [..., 1]
    discrete = inp[..., None]
    # nn.Embedding lookup -> [..., 1, d]
    discrete_embed = jnp.take(embeddings, discrete, axis=0)
    # reduce '... nd d -> ... d' sum
    discrete_embed = discrete_embed.sum(axis=-2)
    return discrete_embed

if __name__ == "__main__":
    import jax
    _d = setup_inputs()
    print(jax.jit(kernel)(*tuple(_d.values())))

</pallas_src>

<mosaic_0001>
#map = affine_map<(d0, d1) -> (0, 0)>
module attributes {stable_mosaic.version = 14 : i64} {
  func.func @_tr_body(%arg0: i32, %arg1: i32, %arg2: memref<64x1000000xf32, #tpu.memory_space<hbm>>, %arg3: memref<64x128xf32, #tpu.memory_space<hbm>>, %arg4: memref<500000x128xf32, #tpu.memory_space<hbm>>, %arg5: memref<64x128xf32, #tpu.memory_space<vmem>>, %arg6: memref<64x128xf32, #tpu.memory_space<vmem>>, %arg7: memref<8256xf32, #tpu.memory_space<vmem>>, %arg8: memref<64x128xf32, #tpu.memory_space<vmem>>, %arg9: memref<64x128xf32, #tpu.memory_space<vmem>>, %arg10: memref<!tpu.dma_semaphore, #tpu.memory_space<semaphore_mem>>, %arg11: memref<!tpu.dma_semaphore, #tpu.memory_space<semaphore_mem>>, %arg12: memref<!tpu.dma_semaphore, #tpu.memory_space<semaphore_mem>>, %arg13: memref<!tpu.dma_semaphore, #tpu.memory_space<semaphore_mem>>) attributes {dimension_semantics = [#tpu.dimension_semantics<core_parallel>, #tpu.dimension_semantics<subcore_parallel>], iteration_bounds = array<i64: 2, 16>, scalar_prefetch = 0 : i64, scratch_operands = 9 : i64, tpu.core_type = #tpu.core_type<sc_vector_subcore>, window_params = [{transform_indices = #map}, {transform_indices = #map}, {transform_indices = #map}]} {
    %mul3A = arith.constant 2 : i32
    %mul3A_0 = arith.muli %arg1, %mul3A : i32
    %add3A = arith.addi %mul3A_0, %arg0 : i32
    %lt3A = arith.constant 4 : i32
    %lt3A_1 = arith.cmpi slt, %add3A, %lt3A : i32
    %jit3A = arith.constant 1 : i32
    %jit3A_2 = arith.constant 0 : i32
    %select_n3A = arith.select %lt3A_1, %jit3A, %jit3A_2 : i32
    %add3A_3 = arith.constant 244 : i32
    %add3A_4 = arith.addi %add3A_3, %select_n3A : i32
    %iota3A = tpu.iota {dimensions = array<i32: 0>} : vector<16xi32>
    %add3A_5 = arith.constant 0 : i32
    %add3A_6 = vector.broadcast %add3A_5 : i32 to vector<16xi32>
    %add3A_7 = arith.addi %iota3A, %add3A_6 : vector<16xi32>
    %jit3A_8 = arith.constant 64 : i32
    %eq3A = arith.constant 0 : i32
    %eq3A_9 = arith.cmpi eq, %jit3A_8, %eq3A : i32
    %jit3A_10 = arith.constant 1 : i32
    %select_n3A_11 = arith.select %eq3A_9, %jit3A_10, %jit3A_8 : i32
    %rem3A = vector.broadcast %select_n3A_11 : i32 to vector<16xi32>
    %rem3A_12 = arith.remsi %add3A_7, %rem3A : vector<16xi32>
    %ne3A = arith.constant 0 : i32
    %ne3A_13 = vector.broadcast %ne3A : i32 to vector<16xi32>
    %ne3A_14 = arith.cmpi ne, %rem3A_12, %ne3A_13 : vector<16xi32>
    %lt3A_15 = arith.constant 0 : i32
    %lt3A_16 = vector.broadcast %lt3A_15 : i32 to vector<16xi32>
    %lt3A_17 = arith.cmpi slt, %rem3A_12, %lt3A_16 : vector<16xi32>
    %lt3A_18 = arith.constant 0 : i32
    %lt3A_19 = arith.cmpi slt, %select_n3A_11, %lt3A_18 : i32
    %ne3A_20 = vector.broadcast %lt3A_19 : i1 to vector<16xi1>
    %ne3A_21 = vector.broadcast %ne3A_20 : vector<16xi1> to vector<16xi1>
    %ne3A_22 = arith.xori %lt3A_17, %ne3A_21 : vector<16xi1>
    %and3A = arith.andi %ne3A_22, %ne3A_14 : vector<16xi1>
    %add3A_23 = vector.broadcast %select_n3A_11 : i32 to vector<16xi32>
    %add3A_24 = arith.addi %rem3A_12, %add3A_23 : vector<16xi32>
    %select_n3A_25 = arith.select %and3A, %add3A_24, %rem3A_12 : vector<16xi1>, vector<16xi32>
    %mul3A_26 = arith.constant 129 : i32
    %mul3A_27 = vector.broadcast %mul3A_26 : i32 to vector<16xi32>
    %mul3A_28 = arith.muli %select_n3A_25, %mul3A_27 : vector<16xi32>
    %add3A_29 = arith.constant 0 : i32
    %add3A_30 = vector.broadcast %add3A_29 : i32 to vector<16xi32>
    %add3A_31 = arith.addi %iota3A, %add3A_30 : vector<16xi32>
    %jit3A_32 = arith.constant 64 : i32
    %div3A = vector.broadcast %jit3A_32 : i32 to vector<16xi32>
    %div3A_33 = arith.divsi %add3A_31, %div3A : vector<16xi32>
    %sign3A = arith.constant 0 : i32
    %sign3A_34 = vector.broadcast %sign3A : i32 to vector<16xi32>
    %sign3A_35 = arith.cmpi sgt, %add3A_31, %sign3A_34 : vector<16xi32>
    %sign3A_36 = arith.extui %sign3A_35 : vector<16xi1> to vector<16xi32>
    %sign3A_37 = arith.constant 0 : i32
    %sign3A_38 = vector.broadcast %sign3A_37 : i32 to vector<16xi32>
    %sign3A_39 = arith.cmpi slt, %add3A_31, %sign3A_38 : vector<16xi32>
    %sign3A_40 = arith.extui %sign3A_39 : vector<16xi1> to vector<16xi32>
    %sign3A_41 = arith.subi %sign3A_36, %sign3A_40 : vector<16xi32>
    %sign3A_42 = arith.constant 0 : i32
    %sign3A_43 = arith.cmpi sgt, %jit3A_32, %sign3A_42 : i32
    %sign3A_44 = arith.extui %sign3A_43 : i1 to i32
    %sign3A_45 = arith.constant 0 : i32
    %sign3A_46 = arith.cmpi slt, %jit3A_32, %sign3A_45 : i32
    %sign3A_47 = arith.extui %sign3A_46 : i1 to i32
    %sign3A_48 = arith.subi %sign3A_44, %sign3A_47 : i32
    %ne3A_49 = vector.broadcast %sign3A_48 : i32 to vector<16xi32>
    %ne3A_50 = arith.cmpi ne, %sign3A_41, %ne3A_49 : vector<16xi32>
    %rem3A_51 = vector.broadcast %jit3A_32 : i32 to vector<16xi32>
    %rem3A_52 = arith.remsi %add3A_31, %rem3A_51 : vector<16xi32>
    %ne3A_53 = arith.constant 0 : i32
    %ne3A_54 = vector.broadcast %ne3A_53 : i32 to vector<16xi32>
    %ne3A_55 = arith.cmpi ne, %rem3A_52, %ne3A_54 : vector<16xi32>
    %and3A_56 = arith.andi %ne3A_50, %ne3A_55 : vector<16xi1>
    %sub3A = arith.constant 1 : i32
    %sub3A_57 = vector.broadcast %sub3A : i32 to vector<16xi32>
    %sub3A_58 = arith.subi %div3A_33, %sub3A_57 : vector<16xi32>
    %select_n3A_59 = arith.select %and3A_56, %sub3A_58, %div3A_33 : vector<16xi1>, vector<16xi32>
    %add3A_60 = arith.addi %mul3A_28, %select_n3A_59 : vector<16xi32>
    %add3A_61 = arith.constant 16 : i32
    %add3A_62 = vector.broadcast %add3A_61 : i32 to vector<16xi32>
    %add3A_63 = arith.addi %iota3A, %add3A_62 : vector<16xi32>
    %jit3A_64 = arith.constant 64 : i32
    %eq3A_65 = arith.constant 0 : i32
    %eq3A_66 = arith.cmpi eq, %jit3A_64, %eq3A_65 : i32
    %jit3A_67 = arith.constant 1 : i32
    %select_n3A_68 = arith.select %eq3A_66, %jit3A_67, %jit3A_64 : i32
    %rem3A_69 = vector.broadcast %select_n3A_68 : i32 to vector<16xi32>
    %rem3A_70 = arith.remsi %add3A_63, %rem3A_69 : vector<16xi32>
    %ne3A_71 = arith.constant 0 : i32
    %ne3A_72 = vector.broadcast %ne3A_71 : i32 to vector<16xi32>
    %ne3A_73 = arith.cmpi ne, %rem3A_70, %ne3A_72 : vector<16xi32>
    %lt3A_74 = arith.constant 0 : i32
    %lt3A_75 = vector.broadcast %lt3A_74 : i32 to vector<16xi32>
    %lt3A_76 = arith.cmpi slt, %rem3A_70, %lt3A_75 : vector<16xi32>
    %lt3A_77 = arith.constant 0 : i32
    %lt3A_78 = arith.cmpi slt, %select_n3A_68, %lt3A_77 : i32
    %ne3A_79 = vector.broadcast %lt3A_78 : i1 to vector<16xi1>
    %ne3A_80 = vector.broadcast %ne3A_79 : vector<16xi1> to vector<16xi1>
    %ne3A_81 = arith.xori %lt3A_76, %ne3A_80 : vector<16xi1>
    %and3A_82 = arith.andi %ne3A_81, %ne3A_73 : vector<16xi1>
    %add3A_83 = vector.broadcast %select_n3A_68 : i32 to vector<16xi32>
    %add3A_84 = arith.addi %rem3A_70, %add3A_83 : vector<16xi32>
    %select_n3A_85 = arith.select %and3A_82, %add3A_84, %rem3A_70 : vector<16xi1>, vector<16xi32>
    %mul3A_86 = arith.constant 129 : i32
    %mul3A_87 = vector.broadcast %mul3A_86 : i32 to vector<16xi32>
    %mul3A_88 = arith.muli %select_n3A_85, %mul3A_87 : vector<16xi32>
    %add3A_89 = arith.constant 16 : i32
    %add3A_90 = vector.broadcast %add3A_89 : i32 to vector<16xi32>
    %add3A_91 = arith.addi %iota3A, %add3A_90 : vector<16xi32>
    %jit3A_92 = arith.constant 64 : i32
    %div3A_93 = vector.broadcast %jit3A_92 : i32 to vector<16xi32>
    %div3A_94 = arith.divsi %add3A_91, %div3A_93 : vector<16xi32>
    %sign3A_95 = arith.constant 0 : i32
    %sign3A_96 = vector.broadcast %sign3A_95 : i32 to vector<16xi32>
    %sign3A_97 = arith.cmpi sgt, %add3A_91, %sign3A_96 : vector<16xi32>
    %sign3A_98 = arith.extui %sign3A_97 : vector<16xi1> to vector<16xi32>
    %sign3A_99 = arith.constant 0 : i32
    %sign3A_100 = vector.broadcast %sign3A_99 : i32 to vector<16xi32>
    %sign3A_101 = arith.cmpi slt, %add3A_91, %sign3A_100 : vector<16xi32>
    %sign3A_102 = arith.extui %sign3A_101 : vector<16xi1> to vector<16xi32>
    %sign3A_103 = arith.subi %sign3A_98, %sign3A_102 : vector<16xi32>
    %sign3A_104 = arith.constant 0 : i32
    %sign3A_105 = arith.cmpi sgt, %jit3A_92, %sign3A_104 : i32
    %sign3A_106 = arith.extui %sign3A_105 : i1 to i32
    %sign3A_107 = arith.constant 0 : i32
    %sign3A_108 = arith.cmpi slt, %jit3A_92, %sign3A_107 : i32
    %sign3A_109 = arith.extui %sign3A_108 : i1 to i32
    %sign3A_110 = arith.subi %sign3A_106, %sign3A_109 : i32
    %ne3A_111 = vector.broadcast %sign3A_110 : i32 to vector<16xi32>
    %ne3A_112 = arith.cmpi ne, %sign3A_103, %ne3A_111 : vector<16xi32>
    %rem3A_113 = vector.broadcast %jit3A_92 : i32 to vector<16xi32>
    %rem3A_114 = arith.remsi %add3A_91, %rem3A_113 : vector<16xi32>
    %ne3A_115 = arith.constant 0 : i32
    %ne3A_116 = vector.broadcast %ne3A_115 : i32 to vector<16xi32>
    %ne3A_117 = arith.cmpi ne, %rem3A_114, %ne3A_116 : vector<16xi32>
    %and3A_118 = arith.andi %ne3A_112, %ne3A_117 : vector<16xi1>
    %sub3A_119 = arith.constant 1 : i32
    %sub3A_120 = vector.broadcast %sub3A_119 : i32 to vector<16xi32>
    %sub3A_121 = arith.subi %div3A_94, %sub3A_120 : vector<16xi32>
    %select_n3A_122 = arith.select %and3A_118, %sub3A_121, %div3A_94 : vector<16xi1>, vector<16xi32>
    %add3A_123 = arith.addi %mul3A_88, %select_n3A_122 : vector<16xi32>
    %add3A_124 = arith.constant 32 : i32
    %add3A_125 = vector.broadcast %add3A_124 : i32 to vector<16xi32>
    %add3A_126 = arith.addi %iota3A, %add3A_125 : vector<16xi32>
    %jit3A_127 = arith.constant 64 : i32
    %eq3A_128 = arith.constant 0 : i32
    %eq3A_129 = arith.cmpi eq, %jit3A_127, %eq3A_128 : i32
    %jit3A_130 = arith.constant 1 : i32
    %select_n3A_131 = arith.select %eq3A_129, %jit3A_130, %jit3A_127 : i32
    %rem3A_132 = vector.broadcast %select_n3A_131 : i32 to vector<16xi32>
    %rem3A_133 = arith.remsi %add3A_126, %rem3A_132 : vector<16xi32>
    %ne3A_134 = arith.constant 0 : i32
    %ne3A_135 = vector.broadcast %ne3A_134 : i32 to vector<16xi32>
    %ne3A_136 = arith.cmpi ne, %rem3A_133, %ne3A_135 : vector<16xi32>
    %lt3A_137 = arith.constant 0 : i32
    %lt3A_138 = vector.broadcast %lt3A_137 : i32 to vector<16xi32>
    %lt3A_139 = arith.cmpi slt, %rem3A_133, %lt3A_138 : vector<16xi32>
    %lt3A_140 = arith.constant 0 : i32
    %lt3A_141 = arith.cmpi slt, %select_n3A_131, %lt3A_140 : i32
    %ne3A_142 = vector.broadcast %lt3A_141 : i1 to vector<16xi1>
    %ne3A_143 = vector.broadcast %ne3A_142 : vector<16xi1> to vector<16xi1>
    %ne3A_144 = arith.xori %lt3A_139, %ne3A_143 : vector<16xi1>
    %and3A_145 = arith.andi %ne3A_144, %ne3A_136 : vector<16xi1>
    %add3A_146 = vector.broadcast %select_n3A_131 : i32 to vector<16xi32>
    %add3A_147 = arith.addi %rem3A_133, %add3A_146 : vector<16xi32>
    %select_n3A_148 = arith.select %and3A_145, %add3A_147, %rem3A_133 : vector<16xi1>, vector<16xi32>
    %mul3A_149 = arith.constant 129 : i32
    %mul3A_150 = vector.broadcast %mul3A_149 : i32 to vector<16xi32>
    %mul3A_151 = arith.muli %select_n3A_148, %mul3A_150 : vector<16xi32>
    %add3A_152 = arith.constant 32 : i32
    %add3A_153 = vector.broadcast %add3A_152 : i32 to vector<16xi32>
    %add3A_154 = arith.addi %iota3A, %add3A_153 : vector<16xi32>
    %jit3A_155 = arith.constant 64 : i32
    %div3A_156 = vector.broadcast %jit3A_155 : i32 to vector<16xi32>
    %div3A_157 = arith.divsi %add3A_154, %div3A_156 : vector<16xi32>
    %sign3A_158 = arith.constant 0 : i32
    %sign3A_159 = vector.broadcast %sign3A_158 : i32 to vector<16xi32>
    %sign3A_160 = arith.cmpi sgt, %add3A_154, %sign3A_159 : vector<16xi32>
    %sign3A_161 = arith.extui %sign3A_160 : vector<16xi1> to vector<16xi32>
    %sign3A_162 = arith.constant 0 : i32
    %sign3A_163 = vector.broadcast %sign3A_162 : i32 to vector<16xi32>
    %sign3A_164 = arith.cmpi slt, %add3A_154, %sign3A_163 : vector<16xi32>
    %sign3A_165 = arith.extui %sign3A_164 : vector<16xi1> to vector<16xi32>
    %sign3A_166 = arith.subi %sign3A_161, %sign3A_165 : vector<16xi32>
    %sign3A_167 = arith.constant 0 : i32
    %sign3A_168 = arith.cmpi sgt, %jit3A_155, %sign3A_167 : i32
    %sign3A_169 = arith.extui %sign3A_168 : i1 to i32
    %sign3A_170 = arith.constant 0 : i32
    %sign3A_171 = arith.cmpi slt, %jit3A_155, %sign3A_170 : i32
    %sign3A_172 = arith.extui %sign3A_171 : i1 to i32
    %sign3A_173 = arith.subi %sign3A_169, %sign3A_172 : i32
    %ne3A_174 = vector.broadcast %sign3A_173 : i32 to vector<16xi32>
    %ne3A_175 = arith.cmpi ne, %sign3A_166, %ne3A_174 : vector<16xi32>
    %rem3A_176 = vector.broadcast %jit3A_155 : i32 to vector<16xi32>
    %rem3A_177 = arith.remsi %add3A_154, %rem3A_176 : vector<16xi32>
    %ne3A_178 = arith.constant 0 : i32
    %ne3A_179 = vector.broadcast %ne3A_178 : i32 to vector<16xi32>
    %ne3A_180 = arith.cmpi ne, %rem3A_177, %ne3A_179 : vector<16xi32>
    %and3A_181 = arith.andi %ne3A_175, %ne3A_180 : vector<16xi1>
    %sub3A_182 = arith.constant 1 : i32
    %sub3A_183 = vector.broadcast %sub3A_182 : i32 to vector<16xi32>
    %sub3A_184 = arith.subi %div3A_157, %sub3A_183 : vector<16xi32>
    %select_n3A_185 = arith.select %and3A_181, %sub3A_184, %div3A_157 : vector<16xi1>, vector<16xi32>
    %add3A_186 = arith.addi %mul3A_151, %select_n3A_185 : vector<16xi32>
    %add3A_187 = arith.constant 48 : i32
    %add3A_188 = vector.broadcast %add3A_187 : i32 to vector<16xi32>
    %add3A_189 = arith.addi %iota3A, %add3A_188 : vector<16xi32>
    %jit3A_190 = arith.constant 64 : i32
    %eq3A_191 = arith.constant 0 : i32
    %eq3A_192 = arith.cmpi eq, %jit3A_190, %eq3A_191 : i32
    %jit3A_193 = arith.constant 1 : i32
    %select_n3A_194 = arith.select %eq3A_192, %jit3A_193, %jit3A_190 : i32
    %rem3A_195 = vector.broadcast %select_n3A_194 : i32 to vector<16xi32>
    %rem3A_196 = arith.remsi %add3A_189, %rem3A_195 : vector<16xi32>
    %ne3A_197 = arith.constant 0 : i32
    %ne3A_198 = vector.broadcast %ne3A_197 : i32 to vector<16xi32>
    %ne3A_199 = arith.cmpi ne, %rem3A_196, %ne3A_198 : vector<16xi32>
    %lt3A_200 = arith.constant 0 : i32
    %lt3A_201 = vector.broadcast %lt3A_200 : i32 to vector<16xi32>
    %lt3A_202 = arith.cmpi slt, %rem3A_196, %lt3A_201 : vector<16xi32>
    %lt3A_203 = arith.constant 0 : i32
    %lt3A_204 = arith.cmpi slt, %select_n3A_194, %lt3A_203 : i32
    %ne3A_205 = vector.broadcast %lt3A_204 : i1 to vector<16xi1>
    %ne3A_206 = vector.broadcast %ne3A_205 : vector<16xi1> to vector<16xi1>
    %ne3A_207 = arith.xori %lt3A_202, %ne3A_206 : vector<16xi1>
    %and3A_208 = arith.andi %ne3A_207, %ne3A_199 : vector<16xi1>
    %add3A_209 = vector.broadcast %select_n3A_194 : i32 to vector<16xi32>
    %add3A_210 = arith.addi %rem3A_196, %add3A_209 : vector<16xi32>
    %select_n3A_211 = arith.select %and3A_208, %add3A_210, %rem3A_196 : vector<16xi1>, vector<16xi32>
    %mul3A_212 = arith.constant 129 : i32
    %mul3A_213 = vector.broadcast %mul3A_212 : i32 to vector<16xi32>
    %mul3A_214 = arith.muli %select_n3A_211, %mul3A_213 : vector<16xi32>
    %add3A_215 = arith.constant 48 : i32
    %add3A_216 = vector.broadcast %add3A_215 : i32 to vector<16xi32>
    %add3A_217 = arith.addi %iota3A, %add3A_216 : vector<16xi32>
    %jit3A_218 = arith.constant 64 : i32
    %div3A_219 = vector.broadcast %jit3A_218 : i32 to vector<16xi32>
    %div3A_220 = arith.divsi %add3A_217, %div3A_219 : vector<16xi32>
    %sign3A_221 = arith.constant 0 : i32
    %sign3A_222 = vector.broadcast %sign3A_221 : i32 to vector<16xi32>
    %sign3A_223 = arith.cmpi sgt, %add3A_217, %sign3A_222 : vector<16xi32>
    %sign3A_224 = arith.extui %sign3A_223 : vector<16xi1> to vector<16xi32>
    %sign3A_225 = arith.constant 0 : i32
    %sign3A_226 = vector.broadcast %sign3A_225 : i32 to vector<16xi32>
    %sign3A_227 = arith.cmpi slt, %add3A_217, %sign3A_226 : vector<16xi32>
    %sign3A_228 = arith.extui %sign3A_227 : vector<16xi1> to vector<16xi32>
    %sign3A_229 = arith.subi %sign3A_224, %sign3A_228 : vector<16xi32>
    %sign3A_230 = arith.constant 0 : i32
    %sign3A_231 = arith.cmpi sgt, %jit3A_218, %sign3A_230 : i32
    %sign3A_232 = arith.extui %sign3A_231 : i1 to i32
    %sign3A_233 = arith.constant 0 : i32
    %sign3A_234 = arith.cmpi slt, %jit3A_218, %sign3A_233 : i32
    %sign3A_235 = arith.extui %sign3A_234 : i1 to i32
    %sign3A_236 = arith.subi %sign3A_232, %sign3A_235 : i32
    %ne3A_237 = vector.broadcast %sign3A_236 : i32 to vector<16xi32>
    %ne3A_238 = arith.cmpi ne, %sign3A_229, %ne3A_237 : vector<16xi32>
    %rem3A_239 = vector.broadcast %jit3A_218 : i32 to vector<16xi32>
    %rem3A_240 = arith.remsi %add3A_217, %rem3A_239 : vector<16xi32>
    %ne3A_241 = arith.constant 0 : i32
    %ne3A_242 = vector.broadcast %ne3A_241 : i32 to vector<16xi32>
    %ne3A_243 = arith.cmpi ne, %rem3A_240, %ne3A_242 : vector<16xi32>
    %and3A_244 = arith.andi %ne3A_238, %ne3A_243 : vector<16xi1>
    %sub3A_245 = arith.constant 1 : i32
    %sub3A_246 = vector.broadcast %sub3A_245 : i32 to vector<16xi32>
    %sub3A_247 = arith.subi %div3A_220, %sub3A_246 : vector<16xi32>
    %select_n3A_248 = arith.select %and3A_244, %sub3A_247, %div3A_220 : vector<16xi1>, vector<16xi32>
    %add3A_249 = arith.addi %mul3A_214, %select_n3A_248 : vector<16xi32>
    %add3A_250 = arith.constant 64 : i32
    %add3A_251 = vector.broadcast %add3A_250 : i32 to vector<16xi32>
    %add3A_252 = arith.addi %iota3A, %add3A_251 : vector<16xi32>
    %jit3A_253 = arith.constant 64 : i32
    %eq3A_254 = arith.constant 0 : i32
    %eq3A_255 = arith.cmpi eq, %jit3A_253, %eq3A_254 : i32
    %jit3A_256 = arith.constant 1 : i32
    %select_n3A_257 = arith.select %eq3A_255, %jit3A_256, %jit3A_253 : i32
    %rem3A_258 = vector.broadcast %select_n3A_257 : i32 to vector<16xi32>
    %rem3A_259 = arith.remsi %add3A_252, %rem3A_258 : vector<16xi32>
    %ne3A_260 = arith.constant 0 : i32
    %ne3A_261 = vector.broadcast %ne3A_260 : i32 to vector<16xi32>
    %ne3A_262 = arith.cmpi ne, %rem3A_259, %ne3A_261 : vector<16xi32>
    %lt3A_263 = arith.constant 0 : i32
    %lt3A_264 = vector.broadcast %lt3A_263 : i32 to vector<16xi32>
    %lt3A_265 = arith.cmpi slt, %rem3A_259, %lt3A_264 : vector<16xi32>
    %lt3A_266 = arith.constant 0 : i32
    %lt3A_267 = arith.cmpi slt, %select_n3A_257, %lt3A_266 : i32
    %ne3A_268 = vector.broadcast %lt3A_267 : i1 to vector<16xi1>
    %ne3A_269 = vector.broadcast %ne3A_268 : vector<16xi1> to vector<16xi1>
    %ne3A_270 = arith.xori %lt3A_265, %ne3A_269 : vector<16xi1>
    %and3A_271 = arith.andi %ne3A_270, %ne3A_262 : vector<16xi1>
    %add3A_272 = vector.broadcast %select_n3A_257 : i32 to vector<16xi32>
    %add3A_273 = arith.addi %rem3A_259, %add3A_272 : vector<16xi32>
    %select_n3A_274 = arith.select %and3A_271, %add3A_273, %rem3A_259 : vector<16xi1>, vector<16xi32>
    %mul3A_275 = arith.constant 129 : i32
    %mul3A_276 = vector.broadcast %mul3A_275 : i32 to vector<16xi32>
    %mul3A_277 = arith.muli %select_n3A_274, %mul3A_276 : vector<16xi32>
    %add3A_278 = arith.constant 64 : i32
    %add3A_279 = vector.broadcast %add3A_278 : i32 to vector<16xi32>
    %add3A_280 = arith.addi %iota3A, %add3A_279 : vector<16xi32>
    %jit3A_281 = arith.constant 64 : i32
    %div3A_282 = vector.broadcast %jit3A_281 : i32 to vector<16xi32>
    %div3A_283 = arith.divsi %add3A_280, %div3A_282 : vector<16xi32>
    %sign3A_284 = arith.constant 0 : i32
    %sign3A_285 = vector.broadcast %sign3A_284 : i32 to vector<16xi32>
    %sign3A_286 = arith.cmpi sgt, %add3A_280, %sign3A_285 : vector<16xi32>
    %sign3A_287 = arith.extui %sign3A_286 : vector<16xi1> to vector<16xi32>
    %sign3A_288 = arith.constant 0 : i32
    %sign3A_289 = vector.broadcast %sign3A_288 : i32 to vector<16xi32>
    %sign3A_290 = arith.cmpi slt, %add3A_280, %sign3A_289 : vector<16xi32>
    %sign3A_291 = arith.extui %sign3A_290 : vector<16xi1> to vector<16xi32>
    %sign3A_292 = arith.subi %sign3A_287, %sign3A_291 : vector<16xi32>
    %sign3A_293 = arith.constant 0 : i32
    %sign3A_294 = arith.cmpi sgt, %jit3A_281, %sign3A_293 : i32
    %sign3A_295 = arith.extui %sign3A_294 : i1 to i32
    %sign3A_296 = arith.constant 0 : i32
    %sign3A_297 = arith.cmpi slt, %jit3A_281, %sign3A_296 : i32
    %sign3A_298 = arith.extui %sign3A_297 : i1 to i32
    %sign3A_299 = arith.subi %sign3A_295, %sign3A_298 : i32
    %ne3A_300 = vector.broadcast %sign3A_299 : i32 to vector<16xi32>
    %ne3A_301 = arith.cmpi ne, %sign3A_292, %ne3A_300 : vector<16xi32>
    %rem3A_302 = vector.broadcast %jit3A_281 : i32 to vector<16xi32>
    %rem3A_303 = arith.remsi %add3A_280, %rem3A_302 : vector<16xi32>
    %ne3A_304 = arith.constant 0 : i32
    %ne3A_305 = vector.broadcast %ne3A_304 : i32 to vector<16xi32>
    %ne3A_306 = arith.cmpi ne, %rem3A_303, %ne3A_305 : vector<16xi32>
    %and3A_307 = arith.andi %ne3A_301, %ne3A_306 : vector<16xi1>
    %sub3A_308 = arith.constant 1 : i32
    %sub3A_309 = vector.broadcast %sub3A_308 : i32 to vector<16xi32>
    %sub3A_310 = arith.subi %div3A_283, %sub3A_309 : vector<16xi32>
    %select_n3A_311 = arith.select %and3A_307, %sub3A_310, %div3A_283 : vector<16xi1>, vector<16xi32>
    %add3A_312 = arith.addi %mul3A_277, %select_n3A_311 : vector<16xi32>
    %add3A_313 = arith.constant 80 : i32
    %add3A_314 = vector.broadcast %add3A_313 : i32 to vector<16xi32>
    %add3A_315 = arith.addi %iota3A, %add3A_314 : vector<16xi32>
    %jit3A_316 = arith.constant 64 : i32
    %eq3A_317 = arith.constant 0 : i32
    %eq3A_318 = arith.cmpi eq, %jit3A_316, %eq3A_317 : i32
    %jit3A_319 = arith.constant 1 : i32
    %select_n3A_320 = arith.select %eq3A_318, %jit3A_319, %jit3A_316 : i32
    %rem3A_321 = vector.broadcast %select_n3A_320 : i32 to vector<16xi32>
    %rem3A_322 = arith.remsi %add3A_315, %rem3A_321 : vector<16xi32>
    %ne3A_323 = arith.constant 0 : i32
    %ne3A_324 = vector.broadcast %ne3A_323 : i32 to vector<16xi32>
    %ne3A_325 = arith.cmpi ne, %rem3A_322, %ne3A_324 : vector<16xi32>
    %lt3A_326 = arith.constant 0 : i32
    %lt3A_327 = vector.broadcast %lt3A_326 : i32 to vector<16xi32>
    %lt3A_328 = arith.cmpi slt, %rem3A_322, %lt3A_327 : vector<16xi32>
    %lt3A_329 = arith.constant 0 : i32
    %lt3A_330 = arith.cmpi slt, %select_n3A_320, %lt3A_329 : i32
    %ne3A_331 = vector.broadcast %lt3A_330 : i1 to vector<16xi1>
    %ne3A_332 = vector.broadcast %ne3A_331 : vector<16xi1> to vector<16xi1>
    %ne3A_333 = arith.xori %lt3A_328, %ne3A_332 : vector<16xi1>
    %and3A_334 = arith.andi %ne3A_333, %ne3A_325 : vector<16xi1>
    %add3A_335 = vector.broadcast %select_n3A_320 : i32 to vector<16xi32>
    %add3A_336 = arith.addi %rem3A_322, %add3A_335 : vector<16xi32>
    %select_n3A_337 = arith.select %and3A_334, %add3A_336, %rem3A_322 : vector<16xi1>, vector<16xi32>
    %mul3A_338 = arith.constant 129 : i32
    %mul3A_339 = vector.broadcast %mul3A_338 : i32 to vector<16xi32>
    %mul3A_340 = arith.muli %select_n3A_337, %mul3A_339 : vector<16xi32>
    %add3A_341 = arith.constant 80 : i32
    %add3A_342 = vector.broadcast %add3A_341 : i32 to vector<16xi32>
    %add3A_343 = arith.addi %iota3A, %add3A_342 : vector<16xi32>
    %jit3A_344 = arith.constant 64 : i32
    %div3A_345 = vector.broadcast %jit3A_344 : i32 to vector<16xi32>
    %div3A_346 = arith.divsi %add3A_343, %div3A_345 : vector<16xi32>
    %sign3A_347 = arith.constant 0 : i32
    %sign3A_348 = vector.broadcast %sign3A_347 : i32 to vector<16xi32>
    %sign3A_349 = arith.cmpi sgt, %add3A_343, %sign3A_348 : vector<16xi32>
    %sign3A_350 = arith.extui %sign3A_349 : vector<16xi1> to vector<16xi32>
    %sign3A_351 = arith.constant 0 : i32
    %sign3A_352 = vector.broadcast %sign3A_351 : i32 to vector<16xi32>
    %sign3A_353 = arith.cmpi slt, %add3A_343, %sign3A_352 : vector<16xi32>
    %sign3A_354 = arith.extui %sign3A_353 : vector<16xi1> to vector<16xi32>
    %sign3A_355 = arith.subi %sign3A_350, %sign3A_354 : vector<16xi32>
    %sign3A_356 = arith.constant 0 : i32
    %sign3A_357 = arith.cmpi sgt, %jit3A_344, %sign3A_356 : i32
    %sign3A_358 = arith.extui %sign3A_357 : i1 to i32
    %sign3A_359 = arith.constant 0 : i32
    %sign3A_360 = arith.cmpi slt, %jit3A_344, %sign3A_359 : i32
    %sign3A_361 = arith.extui %sign3A_360 : i1 to i32
    %sign3A_362 = arith.subi %sign3A_358, %sign3A_361 : i32
    %ne3A_363 = vector.broadcast %sign3A_362 : i32 to vector<16xi32>
    %ne3A_364 = arith.cmpi ne, %sign3A_355, %ne3A_363 : vector<16xi32>
    %rem3A_365 = vector.broadcast %jit3A_344 : i32 to vector<16xi32>
    %rem3A_366 = arith.remsi %add3A_343, %rem3A_365 : vector<16xi32>
    %ne3A_367 = arith.constant 0 : i32
    %ne3A_368 = vector.broadcast %ne3A_367 : i32 to vector<16xi32>
    %ne3A_369 = arith.cmpi ne, %rem3A_366, %ne3A_368 : vector<16xi32>
    %and3A_370 = arith.andi %ne3A_364, %ne3A_369 : vector<16xi1>
    %sub3A_371 = arith.constant 1 : i32
    %sub3A_372 = vector.broadcast %sub3A_371 : i32 to vector<16xi32>
    %sub3A_373 = arith.subi %div3A_346, %sub3A_372 : vector<16xi32>
    %select_n3A_374 = arith.select %and3A_370, %sub3A_373, %div3A_346 : vector<16xi1>, vector<16xi32>
    %add3A_375 = arith.addi %mul3A_340, %select_n3A_374 : vector<16xi32>
    %add3A_376 = arith.constant 96 : i32
    %add3A_377 = vector.broadcast %add3A_376 : i32 to vector<16xi32>
    %add3A_378 = arith.addi %iota3A, %add3A_377 : vector<16xi32>
    %jit3A_379 = arith.constant 64 : i32
    %eq3A_380 = arith.constant 0 : i32
    %eq3A_381 = arith.cmpi eq, %jit3A_379, %eq3A_380 : i32
    %jit3A_382 = arith.constant 1 : i32
    %select_n3A_383 = arith.select %eq3A_381, %jit3A_382, %jit3A_379 : i32
    %rem3A_384 = vector.broadcast %select_n3A_383 : i32 to vector<16xi32>
    %rem3A_385 = arith.remsi %add3A_378, %rem3A_384 : vector<16xi32>
    %ne3A_386 = arith.constant 0 : i32
    %ne3A_387 = vector.broadcast %ne3A_386 : i32 to vector<16xi32>
    %ne3A_388 = arith.cmpi ne, %rem3A_385, %ne3A_387 : vector<16xi32>
    %lt3A_389 = arith.constant 0 : i32
    %lt3A_390 = vector.broadcast %lt3A_389 : i32 to vector<16xi32>
    %lt3A_391 = arith.cmpi slt, %rem3A_385, %lt3A_390 : vector<16xi32>
    %lt3A_392 = arith.constant 0 : i32
    %lt3A_393 = arith.cmpi slt, %select_n3A_383, %lt3A_392 : i32
    %ne3A_394 = vector.broadcast %lt3A_393 : i1 to vector<16xi1>
    %ne3A_395 = vector.broadcast %ne3A_394 : vector<16xi1> to vector<16xi1>
    %ne3A_396 = arith.xori %lt3A_391, %ne3A_395 : vector<16xi1>
    %and3A_397 = arith.andi %ne3A_396, %ne3A_388 : vector<16xi1>
    %add3A_398 = vector.broadcast %select_n3A_383 : i32 to vector<16xi32>
    %add3A_399 = arith.addi %rem3A_385, %add3A_398 : vector<16xi32>
    %select_n3A_400 = arith.select %and3A_397, %add3A_399, %rem3A_385 : vector<16xi1>, vector<16xi32>
    %mul3A_401 = arith.constant 129 : i32
    %mul3A_402 = vector.broadcast %mul3A_401 : i32 to vector<16xi32>
    %mul3A_403 = arith.muli %select_n3A_400, %mul3A_402 : vector<16xi32>
    %add3A_404 = arith.constant 96 : i32
    %add3A_405 = vector.broadcast %add3A_404 : i32 to vector<16xi32>
    %add3A_406 = arith.addi %iota3A, %add3A_405 : vector<16xi32>
    %jit3A_407 = arith.constant 64 : i32
    %div3A_408 = vector.broadcast %jit3A_407 : i32 to vector<16xi32>
    %div3A_409 = arith.divsi %add3A_406, %div3A_408 : vector<16xi32>
    %sign3A_410 = arith.constant 0 : i32
    %sign3A_411 = vector.broadcast %sign3A_410 : i32 to vector<16xi32>
    %sign3A_412 = arith.cmpi sgt, %add3A_406, %sign3A_411 : vector<16xi32>
    %sign3A_413 = arith.extui %sign3A_412 : vector<16xi1> to vector<16xi32>
    %sign3A_414 = arith.constant 0 : i32
    %sign3A_415 = vector.broadcast %sign3A_414 : i32 to vector<16xi32>
    %sign3A_416 = arith.cmpi slt, %add3A_406, %sign3A_415 : vector<16xi32>
    %sign3A_417 = arith.extui %sign3A_416 : vector<16xi1> to vector<16xi32>
    %sign3A_418 = arith.subi %sign3A_413, %sign3A_417 : vector<16xi32>
    %sign3A_419 = arith.constant 0 : i32
    %sign3A_420 = arith.cmpi sgt, %jit3A_407, %sign3A_419 : i32
    %sign3A_421 = arith.extui %sign3A_420 : i1 to i32
    %sign3A_422 = arith.constant 0 : i32
    %sign3A_423 = arith.cmpi slt, %jit3A_407, %sign3A_422 : i32
    %sign3A_424 = arith.extui %sign3A_423 : i1 to i32
    %sign3A_425 = arith.subi %sign3A_421, %sign3A_424 : i32
    %ne3A_426 = vector.broadcast %sign3A_425 : i32 to vector<16xi32>
    %ne3A_427 = arith.cmpi ne, %sign3A_418, %ne3A_426 : vector<16xi32>
    %rem3A_428 = vector.broadcast %jit3A_407 : i32 to vector<16xi32>
    %rem3A_429 = arith.remsi %add3A_406, %rem3A_428 : vector<16xi32>
    %ne3A_430 = arith.constant 0 : i32
    %ne3A_431 = vector.broadcast %ne3A_430 : i32 to vector<16xi32>
    %ne3A_432 = arith.cmpi ne, %rem3A_429, %ne3A_431 : vector<16xi32>
    %and3A_433 = arith.andi %ne3A_427, %ne3A_432 : vector<16xi1>
    %sub3A_434 = arith.constant 1 : i32
    %sub3A_435 = vector.broadcast %sub3A_434 : i32 to vector<16xi32>
    %sub3A_436 = arith.subi %div3A_409, %sub3A_435 : vector<16xi32>
    %select_n3A_437 = arith.select %and3A_433, %sub3A_436, %div3A_409 : vector<16xi1>, vector<16xi32>
    %add3A_438 = arith.addi %mul3A_403, %select_n3A_437 : vector<16xi32>
    %add3A_439 = arith.constant 112 : i32
    %add3A_440 = vector.broadcast %add3A_439 : i32 to vector<16xi32>
    %add3A_441 = arith.addi %iota3A, %add3A_440 : vector<16xi32>
    %jit3A_442 = arith.constant 64 : i32
    %eq3A_443 = arith.constant 0 : i32
    %eq3A_444 = arith.cmpi eq, %jit3A_442, %eq3A_443 : i32
    %jit3A_445 = arith.constant 1 : i32
    %select_n3A_446 = arith.select %eq3A_444, %jit3A_445, %jit3A_442 : i32
    %rem3A_447 = vector.broadcast %select_n3A_446 : i32 to vector<16xi32>
    %rem3A_448 = arith.remsi %add3A_441, %rem3A_447 : vector<16xi32>
    %ne3A_449 = arith.constant 0 : i32
    %ne3A_450 = vector.broadcast %ne3A_449 : i32 to vector<16xi32>
    %ne3A_451 = arith.cmpi ne, %rem3A_448, %ne3A_450 : vector<16xi32>
    %lt3A_452 = arith.constant 0 : i32
    %lt3A_453 = vector.broadcast %lt3A_452 : i32 to vector<16xi32>
    %lt3A_454 = arith.cmpi slt, %rem3A_448, %lt3A_453 : vector<16xi32>
    %lt3A_455 = arith.constant 0 : i32
    %lt3A_456 = arith.cmpi slt, %select_n3A_446, %lt3A_455 : i32
    %ne3A_457 = vector.broadcast %lt3A_456 : i1 to vector<16xi1>
    %ne3A_458 = vector.broadcast %ne3A_457 : vector<16xi1> to vector<16xi1>
    %ne3A_459 = arith.xori %lt3A_454, %ne3A_458 : vector<16xi1>
    %and3A_460 = arith.andi %ne3A_459, %ne3A_451 : vector<16xi1>
    %add3A_461 = vector.broadcast %select_n3A_446 : i32 to vector<16xi32>
    %add3A_462 = arith.addi %rem3A_448, %add3A_461 : vector<16xi32>
    %select_n3A_463 = arith.select %and3A_460, %add3A_462, %rem3A_448 : vector<16xi1>, vector<16xi32>
    %mul3A_464 = arith.constant 129 : i32
    %mul3A_465 = vector.broadcast %mul3A_464 : i32 to vector<16xi32>
    %mul3A_466 = arith.muli %select_n3A_463, %mul3A_465 : vector<16xi32>
    %add3A_467 = arith.constant 112 : i32
    %add3A_468 = vector.broadcast %add3A_467 : i32 to vector<16xi32>
    %add3A_469 = arith.addi %iota3A, %add3A_468 : vector<16xi32>
    %jit3A_470 = arith.constant 64 : i32
    %div3A_471 = vector.broadcast %jit3A_470 : i32 to vector<16xi32>
    %div3A_472 = arith.divsi %add3A_469, %div3A_471 : vector<16xi32>
    %sign3A_473 = arith.constant 0 : i32
    %sign3A_474 = vector.broadcast %sign3A_473 : i32 to vector<16xi32>
    %sign3A_475 = arith.cmpi sgt, %add3A_469, %sign3A_474 : vector<16xi32>
    %sign3A_476 = arith.extui %sign3A_475 : vector<16xi1> to vector<16xi32>
    %sign3A_477 = arith.constant 0 : i32
    %sign3A_478 = vector.broadcast %sign3A_477 : i32 to vector<16xi32>
    %sign3A_479 = arith.cmpi slt, %add3A_469, %sign3A_478 : vector<16xi32>
    %sign3A_480 = arith.extui %sign3A_479 : vector<16xi1> to vector<16xi32>
    %sign3A_481 = arith.subi %sign3A_476, %sign3A_480 : vector<16xi32>
    %sign3A_482 = arith.constant 0 : i32
    %sign3A_483 = arith.cmpi sgt, %jit3A_470, %sign3A_482 : i32
    %sign3A_484 = arith.extui %sign3A_483 : i1 to i32
    %sign3A_485 = arith.constant 0 : i32
    %sign3A_486 = arith.cmpi slt, %jit3A_470, %sign3A_485 : i32
    %sign3A_487 = arith.extui %sign3A_486 : i1 to i32
    %sign3A_488 = arith.subi %sign3A_484, %sign3A_487 : i32
    %ne3A_489 = vector.broadcast %sign3A_488 : i32 to vector<16xi32>
    %ne3A_490 = arith.cmpi ne, %sign3A_481, %ne3A_489 : vector<16xi32>
    %rem3A_491 = vector.broadcast %jit3A_470 : i32 to vector<16xi32>
    %rem3A_492 = arith.remsi %add3A_469, %rem3A_491 : vector<16xi32>
    %ne3A_493 = arith.constant 0 : i32
    %ne3A_494 = vector.broadcast %ne3A_493 : i32 to vector<16xi32>
    %ne3A_495 = arith.cmpi ne, %rem3A_492, %ne3A_494 : vector<16xi32>
    %and3A_496 = arith.andi %ne3A_490, %ne3A_495 : vector<16xi1>
    %sub3A_497 = arith.constant 1 : i32
    %sub3A_498 = vector.broadcast %sub3A_497 : i32 to vector<16xi32>
    %sub3A_499 = arith.subi %div3A_472, %sub3A_498 : vector<16xi32>
    %select_n3A_500 = arith.select %and3A_496, %sub3A_499, %div3A_472 : vector<16xi1>, vector<16xi32>
    %add3A_501 = arith.addi %mul3A_466, %select_n3A_500 : vector<16xi32>
    %add3A_502 = arith.constant 0 : i32
    %add3A_503 = arith.addi %add3A, %add3A_502 : i32
    %mul3A_504 = arith.constant 128 : i32
    %mul3A_505 = arith.muli %add3A_503, %mul3A_504 : i32
    %multiple_of3A = tpu.assume_multiple %mul3A_505, 128 : i32
    %dma_start3A = arith.constant 0 : i32
    %dma_start3A_506 = tpu.memref_slice %arg2[%dma_start3A, %multiple_of3A] : memref<64x1000000xf32, #tpu.memory_space<hbm>> -> memref<64x128xf32, #tpu.memory_space<hbm>>
    %dma_start3A_507 = arith.constant 0 : i32
    %dma_start3A_508 = tpu.memref_slice %arg2[%dma_start3A_507, %multiple_of3A] : memref<64x1000000xf32, #tpu.memory_space<hbm>> -> memref<64x128xf32, #tpu.memory_space<hbm>>
    tpu.enqueue_dma source(%dma_start3A_508 : memref<64x128xf32, #tpu.memory_space<hbm>>) target(%arg5 : memref<64x128xf32, #tpu.memory_space<vmem>>) target_semaphore(%arg10 : memref<!tpu.dma_semaphore, #tpu.memory_space<semaphore_mem>>)
    %add3A_509 = arith.constant 32 : i32
    %add3A_510 = arith.addi %add3A, %add3A_509 : i32
    %mul3A_511 = arith.constant 128 : i32
    %mul3A_512 = arith.muli %add3A_510, %mul3A_511 : i32
    %multiple_of3A_513 = tpu.assume_multiple %mul3A_512, 128 : i32
    %dma_start3A_514 = arith.constant 0 : i32
    %dma_start3A_515 = tpu.memref_slice %arg2[%dma_start3A_514, %multiple_of3A_513] : memref<64x1000000xf32, #tpu.memory_space<hbm>> -> memref<64x128xf32, #tpu.memory_space<hbm>>
    %dma_start3A_516 = arith.constant 0 : i32
    %dma_start3A_517 = tpu.memref_slice %arg2[%dma_start3A_516, %multiple_of3A_513] : memref<64x1000000xf32, #tpu.memory_space<hbm>> -> memref<64x128xf32, #tpu.memory_space<hbm>>
    tpu.enqueue_dma source(%dma_start3A_517 : memref<64x128xf32, #tpu.memory_space<hbm>>) target(%arg6 : memref<64x128xf32, #tpu.memory_space<vmem>>) target_semaphore(%arg11 : memref<!tpu.dma_semaphore, #tpu.memory_space<semaphore_mem>>)
    %add3A_518 = arith.constant 1 : i32
    %add3A_519 = arith.addi %add3A_4, %add3A_518 : i32
    %jit3A_520 = arith.constant 2 : i32
    %div3A_521 = arith.divsi %add3A_519, %jit3A_520 : i32
    %sign3A_522 = arith.constant 0 : i32
    %sign3A_523 = arith.cmpi sgt, %add3A_519, %sign3A_522 : i32
    %sign3A_524 = arith.extui %sign3A_523 : i1 to i32
    %sign3A_525 = arith.constant 0 : i32
    %sign3A_526 = arith.cmpi slt, %add3A_519, %sign3A_525 : i32
    %sign3A_527 = arith.extui %sign3A_526 : i1 to i32
    %sign3A_528 = arith.subi %sign3A_524, %sign3A_527 : i32
    %sign3A_529 = arith.constant 0 : i32
    %sign3A_530 = arith.cmpi sgt, %jit3A_520, %sign3A_529 : i32
    %sign3A_531 = arith.extui %sign3A_530 : i1 to i32
    %sign3A_532 = arith.constant 0 : i32
    %sign3A_533 = arith.cmpi slt, %jit3A_520, %sign3A_532 : i32
    %sign3A_534 = arith.extui %sign3A_533 : i1 to i32
    %sign3A_535 = arith.subi %sign3A_531, %sign3A_534 : i32
    %ne3A_536 = arith.cmpi ne, %sign3A_528, %sign3A_535 : i32
    %rem3A_537 = arith.remsi %add3A_519, %jit3A_520 : i32
    %ne3A_538 = arith.constant 0 : i32
    %ne3A_539 = arith.cmpi ne, %rem3A_537, %ne3A_538 : i32
    %and3A_540 = arith.andi %ne3A_536, %ne3A_539 : i1
    %sub3A_541 = arith.constant 1 : i32
    %sub3A_542 = arith.subi %div3A_521, %sub3A_541 : i32
    %select_n3A_543 = arith.select %and3A_540, %sub3A_542, %div3A_521 : i32
    %while3A = arith.constant 0 : i32
    %while3A_544 = arith.constant 0 : i32
    %while3A_545 = arith.subi %select_n3A_543, %while3A_544 : i32
    %while3A_546 = arith.addi %while3A_544, %while3A_545 : i32
    %while3A_547 = arith.constant 1 : i32
    %while3A_548 = arith.divsi %while3A_545, %while3A_547 : i32
    %while3A_549 = arith.muli %while3A_548, %while3A_547 : i32
    %while3A_550 = arith.addi %while3A_544, %while3A_549 : i32
    %while3A_551 = arith.constant 1 : i32
    scf.for %while3A_567 = %while3A_544 to %while3A_550 step %while3A_551  : i32 {
      %mul3A_568 = arith.constant 2 : i32
      %mul3A_569 = arith.muli %mul3A_568, %while3A_567 : i32
      %dma_wait3A_570 = arith.constant 0 : i32
      %dma_wait3A_571 = arith.constant 0 : i32
      %dma_wait3A_572 = tpu.memref_slice %arg2[%dma_wait3A_570, %dma_wait3A_571] : memref<64x1000000xf32, #tpu.memory_space<hbm>> -> memref<64x128xf32, #tpu.memory_space<hbm>>
      %dma_wait3A_573 = arith.constant 0 : i32
      %dma_wait3A_574 = arith.constant 0 : i32
      %dma_wait3A_575 = tpu.memref_slice %arg2[%dma_wait3A_573, %dma_wait3A_574] : memref<64x1000000xf32, #tpu.memory_space<hbm>> -> memref<64x128xf32, #tpu.memory_space<hbm>>
      tpu.wait_dma2 semaphore(%arg10 : memref<!tpu.dma_semaphore, #tpu.memory_space<semaphore_mem>>) src(%dma_wait3A_575 : memref<64x128xf32, #tpu.memory_space<hbm>>) dst(%arg5 : memref<64x128xf32, #tpu.memory_space<vmem>>)
      %ge3A = arith.constant 2 : i32
      %ge3A_576 = arith.cmpi sge, %mul3A_569, %ge3A : i32
      %convert_element_type3A_577 = arith.extui %ge3A_576 : i1 to i32
      %cond3A_578 = arith.constant 0 : i32
      %cond3A_579 = arith.cmpi ne, %convert_element_type3A_577, %cond3A_578 : i32
      scf.if %cond3A_579 {
        %dma_wait3A_640 = arith.constant 0 : i32
        %dma_wait3A_641 = arith.constant 0 : i32
        %dma_wait3A_642 = tpu.memref_slice %arg4[%dma_wait3A_640, %dma_wait3A_641] : memref<500000x128xf32, #tpu.memory_space<hbm>> -> memref<64x128xf32, #tpu.memory_space<hbm>>
        %dma_wait3A_643 = arith.constant 0 : i32
        %dma_wait3A_644 = arith.constant 0 : i32
        %dma_wait3A_645 = tpu.memref_slice %arg4[%dma_wait3A_643, %dma_wait3A_644] : memref<500000x128xf32, #tpu.memory_space<hbm>> -> memref<64x128xf32, #tpu.memory_space<hbm>>
        tpu.wait_dma2 semaphore(%arg12 : memref<!tpu.dma_semaphore, #tpu.memory_space<semaphore_mem>>) src(%arg8 : memref<64x128xf32, #tpu.memory_space<vmem>>) dst(%dma_wait3A_645 : memref<64x128xf32, #tpu.memory_space<hbm>>)
      } else {
      }
      %scan3A = arith.constant 0 : i32
      %scan3A_580 = arith.constant 0 : i32
      %scan3A_581 = arith.constant 64 : i32
      %scan3A_582 = arith.addi %scan3A_580, %scan3A_581 : i32
      %scan3A_583 = arith.constant 1 : i32
      scf.for %scan3A_640 = %scan3A_580 to %scan3A_582 step %scan3A_583  : i32 {
        %mul3A_641 = arith.constant 129 : i32
        %mul3A_642 = arith.muli %scan3A_640, %mul3A_641 : i32
        %get3A = arith.index_cast %scan3A_640 : i32 to index
        %get3A_643 = arith.constant 0 : index
        %get3A_644 = tpu.vector_load %arg5[%get3A, %get3A_643] {strides = array<i32>} : memref<64x128xf32, #tpu.memory_space<vmem>>, vector<16xf32>,
        %get3A_645 = arith.index_cast %scan3A_640 : i32 to index
        %get3A_646 = arith.constant 16 : index
        %get3A_647 = tpu.vector_load %arg5[%get3A_645, %get3A_646] {strides = array<i32>} : memref<64x128xf32, #tpu.memory_space<vmem>>, vector<16xf32>,
        %get3A_648 = arith.index_cast %scan3A_640 : i32 to index
        %get3A_649 = arith.constant 32 : index
        %get3A_650 = tpu.vector_load %arg5[%get3A_648, %get3A_649] {strides = array<i32>} : memref<64x128xf32, #tpu.memory_space<vmem>>, vector<16xf32>,
        %get3A_651 = arith.index_cast %scan3A_640 : i32 to index
        %get3A_652 = arith.constant 48 : index
        %get3A_653 = tpu.vector_load %arg5[%get3A_651, %get3A_652] {strides = array<i32>} : memref<64x128xf32, #tpu.memory_space<vmem>>, vector<16xf32>,
        %get3A_654 = arith.index_cast %scan3A_640 : i32 to index
        %get3A_655 = arith.constant 64 : index
        %get3A_656 = tpu.vector_load %arg5[%get3A_654, %get3A_655] {strides = array<i32>} : memref<64x128xf32, #tpu.memory_space<vmem>>, vector<16xf32>,
        %get3A_657 = arith.index_cast %scan3A_640 : i32 to index
        %get3A_658 = arith.constant 80 : index
        %get3A_659 = tpu.vector_load %arg5[%get3A_657, %get3A_658] {strides = array<i32>} : memref<64x128xf32, #tpu.memory_space<vmem>>, vector<16xf32>,
        %get3A_660 = arith.index_cast %scan3A_640 : i32 to index
        %get3A_661 = arith.constant 96 : index
        %get3A_662 = tpu.vector_load %arg5[%get3A_660, %get3A_661] {strides = array<i32>} : memref<64x128xf32, #tpu.memory_space<vmem>>, vector<16xf32>,
        %get3A_663 = arith.index_cast %scan3A_640 : i32 to index
        %get3A_664 = arith.constant 112 : index
        %get3A_665 = tpu.vector_load %arg5[%get3A_663, %get3A_664] {strides = array<i32>} : memref<64x128xf32, #tpu.memory_space<vmem>>, vector<16xf32>,
        %add3A_666 = arith.constant 0 : i32
        %add3A_667 = arith.addi %mul3A_642, %add3A_666 : i32
        %swap3A = arith.index_cast %add3A_667 : i32 to index
        %swap3A_668 = tpu.vector_load %arg7[%swap3A] {strides = array<i32>} : memref<8256xf32, #tpu.memory_space<vmem>>, vector<16xf32>,
        tpu.vector_store %arg7[%swap3A], %get3A_644 {strides = array<i32>} : memref<8256xf32, #tpu.memory_space<vmem>>, vector<16xf32>,
        %add3A_669 = arith.constant 16 : i32
        %add3A_670 = arith.addi %mul3A_642, %add3A_669 : i32
        %swap3A_671 = arith.index_cast %add3A_670 : i32 to index
        %swap3A_672 = tpu.vector_load %arg7[%swap3A_671] {strides = array<i32>} : memref<8256xf32, #tpu.memory_space<vmem>>, vector<16xf32>,
        tpu.vector_store %arg7[%swap3A_671], %get3A_647 {strides = array<i32>} : memref<8256xf32, #tpu.memory_space<vmem>>, vector<16xf32>,
        %add3A_673 = arith.constant 32 : i32
        %add3A_674 = arith.addi %mul3A_642, %add3A_673 : i32
        %swap3A_675 = arith.index_cast %add3A_674 : i32 to index
        %swap3A_676 = tpu.vector_load %arg7[%swap3A_675] {strides = array<i32>} : memref<8256xf32, #tpu.memory_space<vmem>>, vector<16xf32>,
        tpu.vector_store %arg7[%swap3A_675], %get3A_650 {strides = array<i32>} : memref<8256xf32, #tpu.memory_space<vmem>>, vector<16xf32>,
        %add3A_677 = arith.constant 48 : i32
        %add3A_678 = arith.addi %mul3A_642, %add3A_677 : i32
        %swap3A_679 = arith.index_cast %add3A_678 : i32 to index
        %swap3A_680 = tpu.vector_load %arg7[%swap3A_679] {strides = array<i32>} : memref<8256xf32, #tpu.memory_space<vmem>>, vector<16xf32>,
        tpu.vector_store %arg7[%swap3A_679], %get3A_653 {strides = array<i32>} : memref<8256xf32, #tpu.memory_space<vmem>>, vector<16xf32>,
        %add3A_681 = arith.constant 64 : i32
        %add3A_682 = arith.addi %mul3A_642, %add3A_681 : i32
        %swap3A_683 = arith.index_cast %add3A_682 : i32 to index
        %swap3A_684 = tpu.vector_load %arg7[%swap3A_683] {strides = array<i32>} : memref<8256xf32, #tpu.memory_space<vmem>>, vector<16xf32>,
        tpu.vector_store %arg7[%swap3A_683], %get3A_656 {strides = array<i32>} : memref<8256xf32, #tpu.memory_space<vmem>>, vector<16xf32>,
        %add3A_685 = arith.constant 80 : i32
        %add3A_686 = arith.addi %mul3A_642, %add3A_685 : i32
        %swap3A_687 = arith.index_cast %add3A_686 : i32 to index
        %swap3A_688 = tpu.vector_load %arg7[%swap3A_687] {strides = array<i32>} : memref<8256xf32, #tpu.memory_space<vmem>>, vector<16xf32>,
        tpu.vector_store %arg7[%swap3A_687], %get3A_659 {strides = array<i32>} : memref<8256xf32, #tpu.memory_space<vmem>>, vector<16xf32>,
        %add3A_689 = arith.constant 96 : i32
        %add3A_690 = arith.addi %mul3A_642, %add3A_689 : i32
        %swap3A_691 = arith.index_cast %add3A_690 : i32 to index
        %swap3A_692 = tpu.vector_load %arg7[%swap3A_691] {strides = array<i32>} : memref<8256xf32, #tpu.memory_space<vmem>>, vector<16xf32>,
        tpu.vector_store %arg7[%swap3A_691], %get3A_662 {strides = array<i32>} : memref<8256xf32, #tpu.memory_space<vmem>>, vector<16xf32>,
        %add3A_693 = arith.constant 112 : i32
        %add3A_694 = arith.addi %mul3A_642, %add3A_693 : i32
        %swap3A_695 = arith.index_cast %add3A_694 : i32 to index
        %swap3A_696 = tpu.vector_load %arg7[%swap3A_695] {strides = array<i32>} : memref<8256xf32, #tpu.memory_space<vmem>>, vector<16xf32>,
        tpu.vector_store %arg7[%swap3A_695], %get3A_665 {strides = array<i32>} : memref<8256xf32, #tpu.memory_space<vmem>>, vector<16xf32>,
      }
      %scan3A_584 = arith.constant 64 : i32
      %scan3A_585 = arith.constant 0 : i32
      %scan3A_586 = arith.constant 0 : i32
      %scan3A_587 = arith.constant 64 : i32
      %scan3A_588 = arith.addi %scan3A_586, %scan3A_587 : i32
      %scan3A_589 = arith.constant 1 : i32
      scf.for %scan3A_640 = %scan3A_586 to %scan3A_588 step %scan3A_589  : i32 {
        %mul3A_641 = arith.constant 2 : i32
        %mul3A_642 = arith.muli %mul3A_641, %scan3A_640 : i32
        %add3A_643 = vector.broadcast %mul3A_642 : i32 to vector<16xi32>
        %add3A_644 = arith.addi %add3A_60, %add3A_643 : vector<16xi32>
        %gather3A = tpu.vector_load_idx %arg7[%add3A_644] : memref<8256xf32, #tpu.memory_space<vmem>>[vector<16xi32>], vector<16xf32>,
        %mul3A_645 = arith.constant 2 : i32
        %mul3A_646 = arith.muli %mul3A_645, %scan3A_640 : i32
        %add3A_647 = vector.broadcast %mul3A_646 : i32 to vector<16xi32>
        %add3A_648 = arith.addi %add3A_123, %add3A_647 : vector<16xi32>
        %gather3A_649 = tpu.vector_load_idx %arg7[%add3A_648] : memref<8256xf32, #tpu.memory_space<vmem>>[vector<16xi32>], vector<16xf32>,
        %mul3A_650 = arith.constant 2 : i32
        %mul3A_651 = arith.muli %mul3A_650, %scan3A_640 : i32
        %add3A_652 = vector.broadcast %mul3A_651 : i32 to vector<16xi32>
        %add3A_653 = arith.addi %add3A_186, %add3A_652 : vector<16xi32>
        %gather3A_654 = tpu.vector_load_idx %arg7[%add3A_653] : memref<8256xf32, #tpu.memory_space<vmem>>[vector<16xi32>], vector<16xf32>,
        %mul3A_655 = arith.constant 2 : i32
        %mul3A_656 = arith.muli %mul3A_655, %scan3A_640 : i32
        %add3A_657 = vector.broadcast %mul3A_656 : i32 to vector<16xi32>
        %add3A_658 = arith.addi %add3A_249, %add3A_657 : vector<16xi32>
        %gather3A_659 = tpu.vector_load_idx %arg7[%add3A_658] : memref<8256xf32, #tpu.memory_space<vmem>>[vector<16xi32>], vector<16xf32>,
        %mul3A_660 = arith.constant 2 : i32
        %mul3A_661 = arith.muli %mul3A_660, %scan3A_640 : i32
        %add3A_662 = vector.broadcast %mul3A_661 : i32 to vector<16xi32>
        %add3A_663 = arith.addi %add3A_312, %add3A_662 : vector<16xi32>
        %gather3A_664 = tpu.vector_load_idx %arg7[%add3A_663] : memref<8256xf32, #tpu.memory_space<vmem>>[vector<16xi32>], vector<16xf32>,
        %mul3A_665 = arith.constant 2 : i32
        %mul3A_666 = arith.muli %mul3A_665, %scan3A_640 : i32
        %add3A_667 = vector.broadcast %mul3A_666 : i32 to vector<16xi32>
        %add3A_668 = arith.addi %add3A_375, %add3A_667 : vector<16xi32>
        %gather3A_669 = tpu.vector_load_idx %arg7[%add3A_668] : memref<8256xf32, #tpu.memory_space<vmem>>[vector<16xi32>], vector<16xf32>,
        %mul3A_670 = arith.constant 2 : i32
        %mul3A_671 = arith.muli %mul3A_670, %scan3A_640 : i32
        %add3A_672 = vector.broadcast %mul3A_671 : i32 to vector<16xi32>
        %add3A_673 = arith.addi %add3A_438, %add3A_672 : vector<16xi32>
        %gather3A_674 = tpu.vector_load_idx %arg7[%add3A_673] : memref<8256xf32, #tpu.memory_space<vmem>>[vector<16xi32>], vector<16xf32>,
        %mul3A_675 = arith.constant 2 : i32
        %mul3A_676 = arith.muli %mul3A_675, %scan3A_640 : i32
        %add3A_677 = vector.broadcast %mul3A_676 : i32 to vector<16xi32>
        %add3A_678 = arith.addi %add3A_501, %add3A_677 : vector<16xi32>
        %gather3A_679 = tpu.vector_load_idx %arg7[%add3A_678] : memref<8256xf32, #tpu.memory_space<vmem>>[vector<16xi32>], vector<16xf32>,
        %swap3A = arith.index_cast %scan3A_640 : i32 to index
        %swap3A_680 = arith.constant 0 : index
        %swap3A_681 = tpu.vector_load %arg8[%swap3A, %swap3A_680] {strides = array<i32>} : memref<64x128xf32, #tpu.memory_space<vmem>>, vector<16xf32>,
        tpu.vector_store %arg8[%swap3A, %swap3A_680], %gather3A {strides = array<i32>} : memref<64x128xf32, #tpu.memory_space<vmem>>, vector<16xf32>,
        %swap3A_682 = arith.index_cast %scan3A_640 : i32 to index
        %swap3A_683 = arith.constant 16 : index
        %swap3A_684 = tpu.vector_load %arg8[%swap3A_682, %swap3A_683] {strides = array<i32>} : memref<64x128xf32, #tpu.memory_space<vmem>>, vector<16xf32>,
        tpu.vector_store %arg8[%swap3A_682, %swap3A_683], %gather3A_649 {strides = array<i32>} : memref<64x128xf32, #tpu.memory_space<vmem>>, vector<16xf32>,
        %swap3A_685 = arith.index_cast %scan3A_640 : i32 to index
        %swap3A_686 = arith.constant 32 : index
        %swap3A_687 = tpu.vector_load %arg8[%swap3A_685, %swap3A_686] {strides = array<i32>} : memref<64x128xf32, #tpu.memory_space<vmem>>, vector<16xf32>,
        tpu.vector_store %arg8[%swap3A_685, %swap3A_686], %gather3A_654 {strides = array<i32>} : memref<64x128xf32, #tpu.memory_space<vmem>>, vector<16xf32>,
        %swap3A_688 = arith.index_cast %scan3A_640 : i32 to index
        %swap3A_689 = arith.constant 48 : index
        %swap3A_690 = tpu.vector_load %arg8[%swap3A_688, %swap3A_689] {strides = array<i32>} : memref<64x128xf32, #tpu.memory_space<vmem>>, vector<16xf32>,
        tpu.vector_store %arg8[%swap3A_688, %swap3A_689], %gather3A_659 {strides = array<i32>} : memref<64x128xf32, #tpu.memory_space<vmem>>, vector<16xf32>,
        %swap3A_691 = arith.index_cast %scan3A_640 : i32 to index
        %swap3A_692 = arith.constant 64 : index
        %swap3A_693 = tpu.vector_load %arg8[%swap3A_691, %swap3A_692] {strides = array<i32>} : memref<64x128xf32, #tpu.memory_space<vmem>>, vector<16xf32>,
        tpu.vector_store %arg8[%swap3A_691, %swap3A_692], %gather3A_664 {strides = array<i32>} : memref<64x128xf32, #tpu.memory_space<vmem>>, vector<16xf32>,
        %swap3A_694 = arith.index_cast %scan3A_640 : i32 to index
        %swap3A_695 = arith.constant 80 : index
        %swap3A_696 = tpu.vector_load %arg8[%swap3A_694, %swap3A_695] {strides = array<i32>} : memref<64x128xf32, #tpu.memory_space<vmem>>, vector<16xf32>,
        tpu.vector_store %arg8[%swap3A_694, %swap3A_695], %gather3A_669 {strides = array<i32>} : memref<64x128xf32, #tpu.memory_space<vmem>>, vector<16xf32>,
        %swap3A_697 = arith.index_cast %scan3A_640 : i32 to index
        %swap3A_698 = arith.constant 96 : index
        %swap3A_699 = tpu.vector_load %arg8[%swap3A_697, %swap3A_698] {strides = array<i32>} : memref<64x128xf32, #tpu.memory_space<vmem>>, vector<16xf32>,
        tpu.vector_store %arg8[%swap3A_697, %swap3A_698], %gather3A_674 {strides = array<i32>} : memref<64x128xf32, #tpu.memory_space<vmem>>, vector<16xf32>,
        %swap3A_700 = arith.index_cast %scan3A_640 : i32 to index
        %swap3A_701 = arith.constant 112 : index
        %swap3A_702 = tpu.vector_load %arg8[%swap3A_700, %swap3A_701] {strides = array<i32>} : memref<64x128xf32, #tpu.memory_space<vmem>>, vector<16xf32>,
        tpu.vector_store %arg8[%swap3A_700, %swap3A_701], %gather3A_679 {strides = array<i32>} : memref<64x128xf32, #tpu.memory_space<vmem>>, vector<16xf32>,
      }
      %scan3A_590 = arith.constant 64 : i32
      %add3A_591 = arith.constant 2 : i32
      %add3A_592 = arith.addi %mul3A_569, %add3A_591 : i32
      %lt3A_593 = arith.cmpi slt, %add3A_592, %add3A_4 : i32
      %convert_element_type3A_594 = arith.extui %lt3A_593 : i1 to i32
      %cond3A_595 = arith.constant 0 : i32
      %cond3A_596 = arith.cmpi ne, %convert_element_type3A_594, %cond3A_595 : i32
      scf.if %cond3A_596 {
        %add3A_640 = arith.constant 2 : i32
        %add3A_641 = arith.addi %mul3A_569, %add3A_640 : i32
        %mul3A_642 = arith.constant 32 : i32
        %mul3A_643 = arith.muli %add3A_641, %mul3A_642 : i32
        %add3A_644 = arith.addi %add3A, %mul3A_643 : i32
        %mul3A_645 = arith.constant 128 : i32
        %mul3A_646 = arith.muli %add3A_644, %mul3A_645 : i32
        %multiple_of3A_647 = tpu.assume_multiple %mul3A_646, 128 : i32
        %dma_start3A_648 = arith.constant 0 : i32
        %dma_start3A_649 = tpu.memref_slice %arg2[%dma_start3A_648, %multiple_of3A_647] : memref<64x1000000xf32, #tpu.memory_space<hbm>> -> memref<64x128xf32, #tpu.memory_space<hbm>>
        %dma_start3A_650 = arith.constant 0 : i32
        %dma_start3A_651 = tpu.memref_slice %arg2[%dma_start3A_650, %multiple_of3A_647] : memref<64x1000000xf32, #tpu.memory_space<hbm>> -> memref<64x128xf32, #tpu.memory_space<hbm>>
        tpu.enqueue_dma source(%dma_start3A_651 : memref<64x128xf32, #tpu.memory_space<hbm>>) target(%arg5 : memref<64x128xf32, #tpu.memory_space<vmem>>) target_semaphore(%arg10 : memref<!tpu.dma_semaphore, #tpu.memory_space<semaphore_mem>>)
      } else {
      }
      %mul3A_597 = arith.constant 32 : i32
      %mul3A_598 = arith.muli %mul3A_569, %mul3A_597 : i32
      %add3A_599 = arith.addi %add3A, %mul3A_598 : i32
      %mul3A_600 = arith.constant 128 : i32
      %mul3A_601 = arith.muli %add3A_599, %mul3A_600 : i32
      %multiple_of3A_602 = tpu.assume_multiple %mul3A_601, 128 : i32
      %jit3A_603 = arith.constant 2 : i32
      %div3A_604 = arith.divsi %multiple_of3A_602, %jit3A_603 : i32
      %sign3A_605 = arith.constant 0 : i32
      %sign3A_606 = arith.cmpi sgt, %multiple_of3A_602, %sign3A_605 : i32
      %sign3A_607 = arith.extui %sign3A_606 : i1 to i32
      %sign3A_608 = arith.constant 0 : i32
      %sign3A_609 = arith.cmpi slt, %multiple_of3A_602, %sign3A_608 : i32
      %sign3A_610 = arith.extui %sign3A_609 : i1 to i32
      %sign3A_611 = arith.subi %sign3A_607, %sign3A_610 : i32
      %sign3A_612 = arith.constant 0 : i32
      %sign3A_613 = arith.cmpi sgt, %jit3A_603, %sign3A_612 : i32
      %sign3A_614 = arith.extui %sign3A_613 : i1 to i32
      %sign3A_615 = arith.constant 0 : i32
      %sign3A_616 = arith.cmpi slt, %jit3A_603, %sign3A_615 : i32
      %sign3A_617 = arith.extui %sign3A_616 : i1 to i32
      %sign3A_618 = arith.subi %sign3A_614, %sign3A_617 : i32
      %ne3A_619 = arith.cmpi ne, %sign3A_611, %sign3A_618 : i32
      %rem3A_620 = arith.remsi %multiple_of3A_602, %jit3A_603 : i32
      %ne3A_621 = arith.constant 0 : i32
      %ne3A_622 = arith.cmpi ne, %rem3A_620, %ne3A_621 : i32
      %and3A_623 = arith.andi %ne3A_619, %ne3A_622 : i1
      %sub3A_624 = arith.constant 1 : i32
      %sub3A_625 = arith.subi %div3A_604, %sub3A_624 : i32
      %select_n3A_626 = arith.select %and3A_623, %sub3A_625, %div3A_604 : i32
      %multiple_of3A_627 = tpu.assume_multiple %select_n3A_626, 64 : i32
      %dma_start3A_628 = arith.constant 0 : i32
      %dma_start3A_629 = tpu.memref_slice %arg4[%multiple_of3A_627, %dma_start3A_628] : memref<500000x128xf32, #tpu.memory_space<hbm>> -> memref<64x128xf32, #tpu.memory_space<hbm>>
      %dma_start3A_630 = arith.constant 0 : i32
      %dma_start3A_631 = tpu.memref_slice %arg4[%multiple_of3A_627, %dma_start3A_630] : memref<500000x128xf32, #tpu.memory_space<hbm>> -> memref<64x128xf32, #tpu.memory_space<hbm>>
      tpu.enqueue_dma source(%arg8 : memref<64x128xf32, #tpu.memory_space<vmem>>) target(%dma_start3A_631 : memref<64x128xf32, #tpu.memory_space<hbm>>) target_semaphore(%arg12 : memref<!tpu.dma_semaphore, #tpu.memory_space<semaphore_mem>>)
      %mul3A_632 = arith.constant 2 : i32
      %mul3A_633 = arith.muli %mul3A_632, %while3A_567 : i32
      %add3A_634 = arith.constant 1 : i32
      %add3A_635 = arith.addi %mul3A_633, %add3A_634 : i32
      %lt3A_636 = arith.cmpi slt, %add3A_635, %add3A_4 : i32
      %convert_element_type3A_637 = arith.extui %lt3A_636 : i1 to i32
      %cond3A_638 = arith.constant 0 : i32
      %cond3A_639 = arith.cmpi ne, %convert_element_type3A_637, %cond3A_638 : i32
      scf.if %cond3A_639 {
        %mul3A_640 = arith.constant 2 : i32
        %mul3A_641 = arith.muli %mul3A_640, %while3A_567 : i32
        %add3A_642 = arith.constant 1 : i32
        %add3A_643 = arith.addi %mul3A_641, %add3A_642 : i32
        %dma_wait3A_644 = arith.constant 0 : i32
        %dma_wait3A_645 = arith.constant 0 : i32
        %dma_wait3A_646 = tpu.memref_slice %arg2[%dma_wait3A_644, %dma_wait3A_645] : memref<64x1000000xf32, #tpu.memory_space<hbm>> -> memref<64x128xf32, #tpu.memory_space<hbm>>
        %dma_wait3A_647 = arith.constant 0 : i32
        %dma_wait3A_648 = arith.constant 0 : i32
        %dma_wait3A_649 = tpu.memref_slice %arg2[%dma_wait3A_647, %dma_wait3A_648] : memref<64x1000000xf32, #tpu.memory_space<hbm>> -> memref<64x128xf32, #tpu.memory_space<hbm>>
        tpu.wait_dma2 semaphore(%arg11 : memref<!tpu.dma_semaphore, #tpu.memory_space<semaphore_mem>>) src(%dma_wait3A_649 : memref<64x128xf32, #tpu.memory_space<hbm>>) dst(%arg6 : memref<64x128xf32, #tpu.memory_space<vmem>>)
        %ge3A_650 = arith.constant 2 : i32
        %ge3A_651 = arith.cmpi sge, %add3A_643, %ge3A_650 : i32
        %convert_element_type3A_652 = arith.extui %ge3A_651 : i1 to i32
        %cond3A_653 = arith.constant 0 : i32
        %cond3A_654 = arith.cmpi ne, %convert_element_type3A_652, %cond3A_653 : i32
        scf.if %cond3A_654 {
          %dma_wait3A_708 = arith.constant 0 : i32
          %dma_wait3A_709 = arith.constant 0 : i32
          %dma_wait3A_710 = tpu.memref_slice %arg4[%dma_wait3A_708, %dma_wait3A_709] : memref<500000x128xf32, #tpu.memory_space<hbm>> -> memref<64x128xf32, #tpu.memory_space<hbm>>
          %dma_wait3A_711 = arith.constant 0 : i32
          %dma_wait3A_712 = arith.constant 0 : i32
          %dma_wait3A_713 = tpu.memref_slice %arg4[%dma_wait3A_711, %dma_wait3A_712] : memref<500000x128xf32, #tpu.memory_space<hbm>> -> memref<64x128xf32, #tpu.memory_space<hbm>>
          tpu.wait_dma2 semaphore(%arg13 : memref<!tpu.dma_semaphore, #tpu.memory_space<semaphore_mem>>) src(%arg9 : memref<64x128xf32, #tpu.memory_space<vmem>>) dst(%dma_wait3A_713 : memref<64x128xf32, #tpu.memory_space<hbm>>)
        } else {
        }
        %scan3A_655 = arith.constant 0 : i32
        %scan3A_656 = arith.constant 0 : i32
        %scan3A_657 = arith.constant 64 : i32
        %scan3A_658 = arith.addi %scan3A_656, %scan3A_657 : i32
        %scan3A_659 = arith.constant 1 : i32
        scf.for %scan3A_708 = %scan3A_656 to %scan3A_658 step %scan3A_659  : i32 {
          %mul3A_709 = arith.constant 129 : i32
          %mul3A_710 = arith.muli %scan3A_708, %mul3A_709 : i32
          %get3A = arith.index_cast %scan3A_708 : i32 to index
          %get3A_711 = arith.constant 0 : index
          %get3A_712 = tpu.vector_load %arg6[%get3A, %get3A_711] {strides = array<i32>} : memref<64x128xf32, #tpu.memory_space<vmem>>, vector<16xf32>,
          %get3A_713 = arith.index_cast %scan3A_708 : i32 to index
          %get3A_714 = arith.constant 16 : index
          %get3A_715 = tpu.vector_load %arg6[%get3A_713, %get3A_714] {strides = array<i32>} : memref<64x128xf32, #tpu.memory_space<vmem>>, vector<16xf32>,
          %get3A_716 = arith.index_cast %scan3A_708 : i32 to index
          %get3A_717 = arith.constant 32 : index
          %get3A_718 = tpu.vector_load %arg6[%get3A_716, %get3A_717] {strides = array<i32>} : memref<64x128xf32, #tpu.memory_space<vmem>>, vector<16xf32>,
          %get3A_719 = arith.index_cast %scan3A_708 : i32 to index
          %get3A_720 = arith.constant 48 : index
          %get3A_721 = tpu.vector_load %arg6[%get3A_719, %get3A_720] {strides = array<i32>} : memref<64x128xf32, #tpu.memory_space<vmem>>, vector<16xf32>,
          %get3A_722 = arith.index_cast %scan3A_708 : i32 to index
          %get3A_723 = arith.constant 64 : index
          %get3A_724 = tpu.vector_load %arg6[%get3A_722, %get3A_723] {strides = array<i32>} : memref<64x128xf32, #tpu.memory_space<vmem>>, vector<16xf32>,
          %get3A_725 = arith.index_cast %scan3A_708 : i32 to index
          %get3A_726 = arith.constant 80 : index
          %get3A_727 = tpu.vector_load %arg6[%get3A_725, %get3A_726] {strides = array<i32>} : memref<64x128xf32, #tpu.memory_space<vmem>>, vector<16xf32>,
          %get3A_728 = arith.index_cast %scan3A_708 : i32 to index
          %get3A_729 = arith.constant 96 : index
          %get3A_730 = tpu.vector_load %arg6[%get3A_728, %get3A_729] {strides = array<i32>} : memref<64x128xf32, #tpu.memory_space<vmem>>, vector<16xf32>,
          %get3A_731 = arith.index_cast %scan3A_708 : i32 to index
          %get3A_732 = arith.constant 112 : index
          %get3A_733 = tpu.vector_load %arg6[%get3A_731, %get3A_732] {strides = array<i32>} : memref<64x128xf32, #tpu.memory_space<vmem>>, vector<16xf32>,
          %add3A_734 = arith.constant 0 : i32
          %add3A_735 = arith.addi %mul3A_710, %add3A_734 : i32
          %swap3A = arith.index_cast %add3A_735 : i32 to index
          %swap3A_736 = tpu.vector_load %arg7[%swap3A] {strides = array<i32>} : memref<8256xf32, #tpu.memory_space<vmem>>, vector<16xf32>,
          tpu.vector_store %arg7[%swap3A], %get3A_712 {strides = array<i32>} : memref<8256xf32, #tpu.memory_space<vmem>>, vector<16xf32>,
          %add3A_737 = arith.constant 16 : i32
          %add3A_738 = arith.addi %mul3A_710, %add3A_737 : i32
          %swap3A_739 = arith.index_cast %add3A_738 : i32 to index
          %swap3A_740 = tpu.vector_load %arg7[%swap3A_739] {strides = array<i32>} : memref<8256xf32, #tpu.memory_space<vmem>>, vector<16xf32>,
          tpu.vector_store %arg7[%swap3A_739], %get3A_715 {strides = array<i32>} : memref<8256xf32, #tpu.memory_space<vmem>>, vector<16xf32>,
          %add3A_741 = arith.constant 32 : i32
          %add3A_742 = arith.addi %mul3A_710, %add3A_741 : i32
          %swap3A_743 = arith.index_cast %add3A_742 : i32 to index
          %swap3A_744 = tpu.vector_load %arg7[%swap3A_743] {strides = array<i32>} : memref<8256xf32, #tpu.memory_space<vmem>>, vector<16xf32>,
          tpu.vector_store %arg7[%swap3A_743], %get3A_718 {strides = array<i32>} : memref<8256xf32, #tpu.memory_space<vmem>>, vector<16xf32>,
          %add3A_745 = arith.constant 48 : i32
          %add3A_746 = arith.addi %mul3A_710, %add3A_745 : i32
          %swap3A_747 = arith.index_cast %add3A_746 : i32 to index
          %swap3A_748 = tpu.vector_load %arg7[%swap3A_747] {strides = array<i32>} : memref<8256xf32, #tpu.memory_space<vmem>>, vector<16xf32>,
          tpu.vector_store %arg7[%swap3A_747], %get3A_721 {strides = array<i32>} : memref<8256xf32, #tpu.memory_space<vmem>>, vector<16xf32>,
          %add3A_749 = arith.constant 64 : i32
          %add3A_750 = arith.addi %mul3A_710, %add3A_749 : i32
          %swap3A_751 = arith.index_cast %add3A_750 : i32 to index
          %swap3A_752 = tpu.vector_load %arg7[%swap3A_751] {strides = array<i32>} : memref<8256xf32, #tpu.memory_space<vmem>>, vector<16xf32>,
          tpu.vector_store %arg7[%swap3A_751], %get3A_724 {strides = array<i32>} : memref<8256xf32, #tpu.memory_space<vmem>>, vector<16xf32>,
          %add3A_753 = arith.constant 80 : i32
          %add3A_754 = arith.addi %mul3A_710, %add3A_753 : i32
          %swap3A_755 = arith.index_cast %add3A_754 : i32 to index
          %swap3A_756 = tpu.vector_load %arg7[%swap3A_755] {strides = array<i32>} : memref<8256xf32, #tpu.memory_space<vmem>>, vector<16xf32>,
          tpu.vector_store %arg7[%swap3A_755], %get3A_727 {strides = array<i32>} : memref<8256xf32, #tpu.memory_space<vmem>>, vector<16xf32>,
          %add3A_757 = arith.constant 96 : i32
          %add3A_758 = arith.addi %mul3A_710, %add3A_757 : i32
          %swap3A_759 = arith.index_cast %add3A_758 : i32 to index
          %swap3A_760 = tpu.vector_load %arg7[%swap3A_759] {strides = array<i32>} : memref<8256xf32, #tpu.memory_space<vmem>>, vector<16xf32>,
          tpu.vector_store %arg7[%swap3A_759], %get3A_730 {strides = array<i32>} : memref<8256xf32, #tpu.memory_space<vmem>>, vector<16xf32>,
          %add3A_761 = arith.constant 112 : i32
          %add3A_762 = arith.addi %mul3A_710, %add3A_761 : i32
          %swap3A_763 = arith.index_cast %add3A_762 : i32 to index
          %swap3A_764 = tpu.vector_load %arg7[%swap3A_763] {strides = array<i32>} : memref<8256xf32, #tpu.memory_space<vmem>>, vector<16xf32>,
          tpu.vector_store %arg7[%swap3A_763], %get3A_733 {strides = array<i32>} : memref<8256xf32, #tpu.memory_space<vmem>>, vector<16xf32>,
        }
        %scan3A_660 = arith.constant 64 : i32
        %scan3A_661 = arith.constant 0 : i32
        %scan3A_662 = arith.constant 0 : i32
        %scan3A_663 = arith.constant 64 : i32
        %scan3A_664 = arith.addi %scan3A_662, %scan3A_663 : i32
        %scan3A_665 = arith.constant 1 : i32
        scf.for %scan3A_708 = %scan3A_662 to %scan3A_664 step %scan3A_665  : i32 {
          %mul3A_709 = arith.constant 2 : i32
          %mul3A_710 = arith.muli %mul3A_709, %scan3A_708 : i32
          %add3A_711 = vector.broadcast %mul3A_710 : i32 to vector<16xi32>
          %add3A_712 = arith.addi %add3A_60, %add3A_711 : vector<16xi32>
          %gather3A = tpu.vector_load_idx %arg7[%add3A_712] : memref<8256xf32, #tpu.memory_space<vmem>>[vector<16xi32>], vector<16xf32>,
          %mul3A_713 = arith.constant 2 : i32
          %mul3A_714 = arith.muli %mul3A_713, %scan3A_708 : i32
          %add3A_715 = vector.broadcast %mul3A_714 : i32 to vector<16xi32>
          %add3A_716 = arith.addi %add3A_123, %add3A_715 : vector<16xi32>
          %gather3A_717 = tpu.vector_load_idx %arg7[%add3A_716] : memref<8256xf32, #tpu.memory_space<vmem>>[vector<16xi32>], vector<16xf32>,
          %mul3A_718 = arith.constant 2 : i32
          %mul3A_719 = arith.muli %mul3A_718, %scan3A_708 : i32
          %add3A_720 = vector.broadcast %mul3A_719 : i32 to vector<16xi32>
          %add3A_721 = arith.addi %add3A_186, %add3A_720 : vector<16xi32>
          %gather3A_722 = tpu.vector_load_idx %arg7[%add3A_721] : memref<8256xf32, #tpu.memory_space<vmem>>[vector<16xi32>], vector<16xf32>,
          %mul3A_723 = arith.constant 2 : i32
          %mul3A_724 = arith.muli %mul3A_723, %scan3A_708 : i32
          %add3A_725 = vector.broadcast %mul3A_724 : i32 to vector<16xi32>
          %add3A_726 = arith.addi %add3A_249, %add3A_725 : vector<16xi32>
          %gather3A_727 = tpu.vector_load_idx %arg7[%add3A_726] : memref<8256xf32, #tpu.memory_space<vmem>>[vector<16xi32>], vector<16xf32>,
          %mul3A_728 = arith.constant 2 : i32
          %mul3A_729 = arith.muli %mul3A_728, %scan3A_708 : i32
          %add3A_730 = vector.broadcast %mul3A_729 : i32 to vector<16xi32>
          %add3A_731 = arith.addi %add3A_312, %add3A_730 : vector<16xi32>
          %gather3A_732 = tpu.vector_load_idx %arg7[%add3A_731] : memref<8256xf32, #tpu.memory_space<vmem>>[vector<16xi32>], vector<16xf32>,
          %mul3A_733 = arith.constant 2 : i32
          %mul3A_734 = arith.muli %mul3A_733, %scan3A_708 : i32
          %add3A_735 = vector.broadcast %mul3A_734 : i32 to vector<16xi32>
          %add3A_736 = arith.addi %add3A_375, %add3A_735 : vector<16xi32>
          %gather3A_737 = tpu.vector_load_idx %arg7[%add3A_736] : memref<8256xf32, #tpu.memory_space<vmem>>[vector<16xi32>], vector<16xf32>,
          %mul3A_738 = arith.constant 2 : i32
          %mul3A_739 = arith.muli %mul3A_738, %scan3A_708 : i32
          %add3A_740 = vector.broadcast %mul3A_739 : i32 to vector<16xi32>
          %add3A_741 = arith.addi %add3A_438, %add3A_740 : vector<16xi32>
          %gather3A_742 = tpu.vector_load_idx %arg7[%add3A_741] : memref<8256xf32, #tpu.memory_space<vmem>>[vector<16xi32>], vector<16xf32>,
          %mul3A_743 = arith.constant 2 : i32
          %mul3A_744 = arith.muli %mul3A_743, %scan3A_708 : i32
          %add3A_745 = vector.broadcast %mul3A_744 : i32 to vector<16xi32>
          %add3A_746 = arith.addi %add3A_501, %add3A_745 : vector<16xi32>
          %gather3A_747 = tpu.vector_load_idx %arg7[%add3A_746] : memref<8256xf32, #tpu.memory_space<vmem>>[vector<16xi32>], vector<16xf32>,
          %swap3A = arith.index_cast %scan3A_708 : i32 to index
          %swap3A_748 = arith.constant 0 : index
          %swap3A_749 = tpu.vector_load %arg9[%swap3A, %swap3A_748] {strides = array<i32>} : memref<64x128xf32, #tpu.memory_space<vmem>>, vector<16xf32>,
          tpu.vector_store %arg9[%swap3A, %swap3A_748], %gather3A {strides = array<i32>} : memref<64x128xf32, #tpu.memory_space<vmem>>, vector<16xf32>,
          %swap3A_750 = arith.index_cast %scan3A_708 : i32 to index
          %swap3A_751 = arith.constant 16 : index
          %swap3A_752 = tpu.vector_load %arg9[%swap3A_750, %swap3A_751] {strides = array<i32>} : memref<64x128xf32, #tpu.memory_space<vmem>>, vector<16xf32>,
          tpu.vector_store %arg9[%swap3A_750, %swap3A_751], %gather3A_717 {strides = array<i32>} : memref<64x128xf32, #tpu.memory_space<vmem>>, vector<16xf32>,
          %swap3A_753 = arith.index_cast %scan3A_708 : i32 to index
          %swap3A_754 = arith.constant 32 : index
          %swap3A_755 = tpu.vector_load %arg9[%swap3A_753, %swap3A_754] {strides = array<i32>} : memref<64x128xf32, #tpu.memory_space<vmem>>, vector<16xf32>,
          tpu.vector_store %arg9[%swap3A_753, %swap3A_754], %gather3A_722 {strides = array<i32>} : memref<64x128xf32, #tpu.memory_space<vmem>>, vector<16xf32>,
          %swap3A_756 = arith.index_cast %scan3A_708 : i32 to index
          %swap3A_757 = arith.constant 48 : index
          %swap3A_758 = tpu.vector_load %arg9[%swap3A_756, %swap3A_757] {strides = array<i32>} : memref<64x128xf32, #tpu.memory_space<vmem>>, vector<16xf32>,
          tpu.vector_store %arg9[%swap3A_756, %swap3A_757], %gather3A_727 {strides = array<i32>} : memref<64x128xf32, #tpu.memory_space<vmem>>, vector<16xf32>,
          %swap3A_759 = arith.index_cast %scan3A_708 : i32 to index
          %swap3A_760 = arith.constant 64 : index
          %swap3A_761 = tpu.vector_load %arg9[%swap3A_759, %swap3A_760] {strides = array<i32>} : memref<64x128xf32, #tpu.memory_space<vmem>>, vector<16xf32>,
          tpu.vector_store %arg9[%swap3A_759, %swap3A_760], %gather3A_732 {strides = array<i32>} : memref<64x128xf32, #tpu.memory_space<vmem>>, vector<16xf32>,
          %swap3A_762 = arith.index_cast %scan3A_708 : i32 to index
          %swap3A_763 = arith.constant 80 : index
          %swap3A_764 = tpu.vector_load %arg9[%swap3A_762, %swap3A_763] {strides = array<i32>} : memref<64x128xf32, #tpu.memory_space<vmem>>, vector<16xf32>,
          tpu.vector_store %arg9[%swap3A_762, %swap3A_763], %gather3A_737 {strides = array<i32>} : memref<64x128xf32, #tpu.memory_space<vmem>>, vector<16xf32>,
          %swap3A_765 = arith.index_cast %scan3A_708 : i32 to index
          %swap3A_766 = arith.constant 96 : index
          %swap3A_767 = tpu.vector_load %arg9[%swap3A_765, %swap3A_766] {strides = array<i32>} : memref<64x128xf32, #tpu.memory_space<vmem>>, vector<16xf32>,
          tpu.vector_store %arg9[%swap3A_765, %swap3A_766], %gather3A_742 {strides = array<i32>} : memref<64x128xf32, #tpu.memory_space<vmem>>, vector<16xf32>,
          %swap3A_768 = arith.index_cast %scan3A_708 : i32 to index
          %swap3A_769 = arith.constant 112 : index
          %swap3A_770 = tpu.vector_load %arg9[%swap3A_768, %swap3A_769] {strides = array<i32>} : memref<64x128xf32, #tpu.memory_space<vmem>>, vector<16xf32>,
          tpu.vector_store %arg9[%swap3A_768, %swap3A_769], %gather3A_747 {strides = array<i32>} : memref<64x128xf32, #tpu.memory_space<vmem>>, vector<16xf32>,
        }
        %scan3A_666 = arith.constant 64 : i32
        %add3A_667 = arith.constant 2 : i32
        %add3A_668 = arith.addi %add3A_643, %add3A_667 : i32
        %lt3A_669 = arith.cmpi slt, %add3A_668, %add3A_4 : i32
        %convert_element_type3A_670 = arith.extui %lt3A_669 : i1 to i32
        %cond3A_671 = arith.constant 0 : i32
        %cond3A_672 = arith.cmpi ne, %convert_element_type3A_670, %cond3A_671 : i32
        scf.if %cond3A_672 {
          %add3A_708 = arith.constant 2 : i32
          %add3A_709 = arith.addi %add3A_643, %add3A_708 : i32
          %mul3A_710 = arith.constant 32 : i32
          %mul3A_711 = arith.muli %add3A_709, %mul3A_710 : i32
          %add3A_712 = arith.addi %add3A, %mul3A_711 : i32
          %mul3A_713 = arith.constant 128 : i32
          %mul3A_714 = arith.muli %add3A_712, %mul3A_713 : i32
          %multiple_of3A_715 = tpu.assume_multiple %mul3A_714, 128 : i32
          %dma_start3A_716 = arith.constant 0 : i32
          %dma_start3A_717 = tpu.memref_slice %arg2[%dma_start3A_716, %multiple_of3A_715] : memref<64x1000000xf32, #tpu.memory_space<hbm>> -> memref<64x128xf32, #tpu.memory_space<hbm>>
          %dma_start3A_718 = arith.constant 0 : i32
          %dma_start3A_719 = tpu.memref_slice %arg2[%dma_start3A_718, %multiple_of3A_715] : memref<64x1000000xf32, #tpu.memory_space<hbm>> -> memref<64x128xf32, #tpu.memory_space<hbm>>
          tpu.enqueue_dma source(%dma_start3A_719 : memref<64x128xf32, #tpu.memory_space<hbm>>) target(%arg6 : memref<64x128xf32, #tpu.memory_space<vmem>>) target_semaphore(%arg11 : memref<!tpu.dma_semaphore, #tpu.memory_space<semaphore_mem>>)
        } else {
        }
        %mul3A_673 = arith.constant 32 : i32
        %mul3A_674 = arith.muli %add3A_643, %mul3A_673 : i32
        %add3A_675 = arith.addi %add3A, %mul3A_674 : i32
        %mul3A_676 = arith.constant 128 : i32
        %mul3A_677 = arith.muli %add3A_675, %mul3A_676 : i32
        %multiple_of3A_678 = tpu.assume_multiple %mul3A_677, 128 : i32
        %jit3A_679 = arith.constant 2 : i32
        %div3A_680 = arith.divsi %multiple_of3A_678, %jit3A_679 : i32
        %sign3A_681 = arith.constant 0 : i32
        %sign3A_682 = arith.cmpi sgt, %multiple_of3A_678, %sign3A_681 : i32
        %sign3A_683 = arith.extui %sign3A_682 : i1 to i32
        %sign3A_684 = arith.constant 0 : i32
        %sign3A_685 = arith.cmpi slt, %multiple_of3A_678, %sign3A_684 : i32
        %sign3A_686 = arith.extui %sign3A_685 : i1 to i32
        %sign3A_687 = arith.subi %sign3A_683, %sign3A_686 : i32
        %sign3A_688 = arith.constant 0 : i32
        %sign3A_689 = arith.cmpi sgt, %jit3A_679, %sign3A_688 : i32
        %sign3A_690 = arith.extui %sign3A_689 : i1 to i32
        %sign3A_691 = arith.constant 0 : i32
        %sign3A_692 = arith.cmpi slt, %jit3A_679, %sign3A_691 : i32
        %sign3A_693 = arith.extui %sign3A_692 : i1 to i32
        %sign3A_694 = arith.subi %sign3A_690, %sign3A_693 : i32
        %ne3A_695 = arith.cmpi ne, %sign3A_687, %sign3A_694 : i32
        %rem3A_696 = arith.remsi %multiple_of3A_678, %jit3A_679 : i32
        %ne3A_697 = arith.constant 0 : i32
        %ne3A_698 = arith.cmpi ne, %rem3A_696, %ne3A_697 : i32
        %and3A_699 = arith.andi %ne3A_695, %ne3A_698 : i1
        %sub3A_700 = arith.constant 1 : i32
        %sub3A_701 = arith.subi %div3A_680, %sub3A_700 : i32
        %select_n3A_702 = arith.select %and3A_699, %sub3A_701, %div3A_680 : i32
        %multiple_of3A_703 = tpu.assume_multiple %select_n3A_702, 64 : i32
        %dma_start3A_704 = arith.constant 0 : i32
        %dma_start3A_705 = tpu.memref_slice %arg4[%multiple_of3A_703, %dma_start3A_704] : memref<500000x128xf32, #tpu.memory_space<hbm>> -> memref<64x128xf32, #tpu.memory_space<hbm>>
        %dma_start3A_706 = arith.constant 0 : i32
        %dma_start3A_707 = tpu.memref_slice %arg4[%multiple_of3A_703, %dma_start3A_706] : memref<500000x128xf32, #tpu.memory_space<hbm>> -> memref<64x128xf32, #tpu.memory_space<hbm>>
        tpu.enqueue_dma source(%arg9 : memref<64x128xf32, #tpu.memory_space<vmem>>) target(%dma_start3A_707 : memref<64x128xf32, #tpu.memory_space<hbm>>) target_semaphore(%arg13 : memref<!tpu.dma_semaphore, #tpu.memory_space<semaphore_mem>>)
      } else {
      }
    }
    %while3A_552 = arith.constant 1 : i32
    scf.for %while3A_567 = %while3A_550 to %while3A_546 step %while3A_552  : i32 {
      %mul3A_568 = arith.constant 2 : i32
      %mul3A_569 = arith.muli %mul3A_568, %while3A_567 : i32
      %dma_wait3A_570 = arith.constant 0 : i32
      %dma_wait3A_571 = arith.constant 0 : i32
      %dma_wait3A_572 = tpu.memref_slice %arg2[%dma_wait3A_570, %dma_wait3A_571] : memref<64x1000000xf32, #tpu.memory_space<hbm>> -> memref<64x128xf32, #tpu.memory_space<hbm>>
      %dma_wait3A_573 = arith.constant 0 : i32
      %dma_wait3A_574 = arith.constant 0 : i32
      %dma_wait3A_575 = tpu.memref_slice %arg2[%dma_wait3A_573, %dma_wait3A_574] : memref<64x1000000xf32, #tpu.memory_space<hbm>> -> memref<64x128xf32, #tpu.memory_space<hbm>>
      tpu.wait_dma2 semaphore(%arg10 : memref<!tpu.dma_semaphore, #tpu.memory_space<semaphore_mem>>) src(%dma_wait3A_575 : memref<64x128xf32, #tpu.memory_space<hbm>>) dst(%arg5 : memref<64x128xf32, #tpu.memory_space<vmem>>)
      %ge3A = arith.constant 2 : i32
      %ge3A_576 = arith.cmpi sge, %mul3A_569, %ge3A : i32
      %convert_element_type3A_577 = arith.extui %ge3A_576 : i1 to i32
      %cond3A_578 = arith.constant 0 : i32
      %cond3A_579 = arith.cmpi ne, %convert_element_type3A_577, %cond3A_578 : i32
      scf.if %cond3A_579 {
        %dma_wait3A_640 = arith.constant 0 : i32
        %dma_wait3A_641 = arith.constant 0 : i32
        %dma_wait3A_642 = tpu.memref_slice %arg4[%dma_wait3A_640, %dma_wait3A_641] : memref<500000x128xf32, #tpu.memory_space<hbm>> -> memref<64x128xf32, #tpu.memory_space<hbm>>
        %dma_wait3A_643 = arith.constant 0 : i32
        %dma_wait3A_644 = arith.constant 0 : i32
        %dma_wait3A_645 = tpu.memref_slice %arg4[%dma_wait3A_643, %dma_wait3A_644] : memref<500000x128xf32, #tpu.memory_space<hbm>> -> memref<64x128xf32, #tpu.memory_space<hbm>>
        tpu.wait_dma2 semaphore(%arg12 : memref<!tpu.dma_semaphore, #tpu.memory_space<semaphore_mem>>) src(%arg8 : memref<64x128xf32, #tpu.memory_space<vmem>>) dst(%dma_wait3A_645 : memref<64x128xf32, #tpu.memory_space<hbm>>)
      } else {
      }
      %scan3A = arith.constant 0 : i32
      %scan3A_580 = arith.constant 0 : i32
      %scan3A_581 = arith.constant 64 : i32
      %scan3A_582 = arith.addi %scan3A_580, %scan3A_581 : i32
      %scan3A_583 = arith.constant 1 : i32
      scf.for %scan3A_640 = %scan3A_580 to %scan3A_582 step %scan3A_583  : i32 {
        %mul3A_641 = arith.constant 129 : i32
        %mul3A_642 = arith.muli %scan3A_640, %mul3A_641 : i32
        %get3A = arith.index_cast %scan3A_640 : i32 to index
        %get3A_643 = arith.constant 0 : index
        %get3A_644 = tpu.vector_load %arg5[%get3A, %get3A_643] {strides = array<i32>} : memref<64x128xf32, #tpu.memory_space<vmem>>, vector<16xf32>,
        %get3A_645 = arith.index_cast %scan3A_640 : i32 to index
        %get3A_646 = arith.constant 16 : index
        %get3A_647 = tpu.vector_load %arg5[%get3A_645, %get3A_646] {strides = array<i32>} : memref<64x128xf32, #tpu.memory_space<vmem>>, vector<16xf32>,
        %get3A_648 = arith.index_cast %scan3A_640 : i32 to index
        %get3A_649 = arith.constant 32 : index
        %get3A_650 = tpu.vector_load %arg5[%get3A_648, %get3A_649] {strides = array<i32>} : memref<64x128xf32, #tpu.memory_space<vmem>>, vector<16xf32>,
        %get3A_651 = arith.index_cast %scan3A_640 : i32 to index
        %get3A_652 = arith.constant 48 : index
        %get3A_653 = tpu.vector_load %arg5[%get3A_651, %get3A_652] {strides = array<i32>} : memref<64x128xf32, #tpu.memory_space<vmem>>, vector<16xf32>,
        %get3A_654 = arith.index_cast %scan3A_640 : i32 to index
        %get3A_655 = arith.constant 64 : index
        %get3A_656 = tpu.vector_load %arg5[%get3A_654, %get3A_655] {strides = array<i32>} : memref<64x128xf32, #tpu.memory_space<vmem>>, vector<16xf32>,
        %get3A_657 = arith.index_cast %scan3A_640 : i32 to index
        %get3A_658 = arith.constant 80 : index
        %get3A_659 = tpu.vector_load %arg5[%get3A_657, %get3A_658] {strides = array<i32>} : memref<64x128xf32, #tpu.memory_space<vmem>>, vector<16xf32>,
        %get3A_660 = arith.index_cast %scan3A_640 : i32 to index
        %get3A_661 = arith.constant 96 : index
        %get3A_662 = tpu.vector_load %arg5[%get3A_660, %get3A_661] {strides = array<i32>} : memref<64x128xf32, #tpu.memory_space<vmem>>, vector<16xf32>,
        %get3A_663 = arith.index_cast %scan3A_640 : i32 to index
        %get3A_664 = arith.constant 112 : index
        %get3A_665 = tpu.vector_load %arg5[%get3A_663, %get3A_664] {strides = array<i32>} : memref<64x128xf32, #tpu.memory_space<vmem>>, vector<16xf32>,
        %add3A_666 = arith.constant 0 : i32
        %add3A_667 = arith.addi %mul3A_642, %add3A_666 : i32
        %swap3A = arith.index_cast %add3A_667 : i32 to index
        %swap3A_668 = tpu.vector_load %arg7[%swap3A] {strides = array<i32>} : memref<8256xf32, #tpu.memory_space<vmem>>, vector<16xf32>,
        tpu.vector_store %arg7[%swap3A], %get3A_644 {strides = array<i32>} : memref<8256xf32, #tpu.memory_space<vmem>>, vector<16xf32>,
        %add3A_669 = arith.constant 16 : i32
        %add3A_670 = arith.addi %mul3A_642, %add3A_669 : i32
        %swap3A_671 = arith.index_cast %add3A_670 : i32 to index
        %swap3A_672 = tpu.vector_load %arg7[%swap3A_671] {strides = array<i32>} : memref<8256xf32, #tpu.memory_space<vmem>>, vector<16xf32>,
        tpu.vector_store %arg7[%swap3A_671], %get3A_647 {strides = array<i32>} : memref<8256xf32, #tpu.memory_space<vmem>>, vector<16xf32>,
        %add3A_673 = arith.constant 32 : i32
        %add3A_674 = arith.addi %mul3A_642, %add3A_673 : i32
        %swap3A_675 = arith.index_cast %add3A_674 : i32 to index
        %swap3A_676 = tpu.vector_load %arg7[%swap3A_675] {strides = array<i32>} : memref<8256xf32, #tpu.memory_space<vmem>>, vector<16xf32>,
        tpu.vector_store %arg7[%swap3A_675], %get3A_650 {strides = array<i32>} : memref<8256xf32, #tpu.memory_space<vmem>>, vector<16xf32>,
        %add3A_677 = arith.constant 48 : i32
        %add3A_678 = arith.addi %mul3A_642, %add3A_677 : i32
        %swap3A_679 = arith.index_cast %add3A_678 : i32 to index
        %swap3A_680 = tpu.vector_load %arg7[%swap3A_679] {strides = array<i32>} : memref<8256xf32, #tpu.memory_space<vmem>>, vector<16xf32>,
        tpu.vector_store %arg7[%swap3A_679], %get3A_653 {strides = array<i32>} : memref<8256xf32, #tpu.memory_space<vmem>>, vector<16xf32>,
        %add3A_681 = arith.constant 64 : i32
        %add3A_682 = arith.addi %mul3A_642, %add3A_681 : i32
        %swap3A_683 = arith.index_cast %add3A_682 : i32 to index
        %swap3A_684 = tpu.vector_load %arg7[%swap3A_683] {strides = array<i32>} : memref<8256xf32, #tpu.memory_space<vmem>>, vector<16xf32>,
        tpu.vector_store %arg7[%swap3A_683], %get3A_656 {strides = array<i32>} : memref<8256xf32, #tpu.memory_space<vmem>>, vector<16xf32>,
        %add3A_685 = arith.constant 80 : i32
        %add3A_686 = arith.addi %mul3A_642, %add3A_685 : i32
        %swap3A_687 = arith.index_cast %add3A_686 : i32 to index
        %swap3A_688 = tpu.vector_load %arg7[%swap3A_687] {strides = array<i32>} : memref<8256xf32, #tpu.memory_space<vmem>>, vector<16xf32>,
        tpu.vector_store %arg7[%swap3A_687], %get3A_659 {strides = array<i32>} : memref<8256xf32, #tpu.memory_space<vmem>>, vector<16xf32>,
        %add3A_689 = arith.constant 96 : i32
        %add3A_690 = arith.addi %mul3A_642, %add3A_689 : i32
        %swap3A_691 = arith.index_cast %add3A_690 : i32 to index
        %swap3A_692 = tpu.vector_load %arg7[%swap3A_691] {strides = array<i32>} : memref<8256xf32, #tpu.memory_space<vmem>>, vector<16xf32>,
        tpu.vector_store %arg7[%swap3A_691], %get3A_662 {strides = array<i32>} : memref<8256xf32, #tpu.memory_space<vmem>>, vector<16xf32>,
        %add3A_693 = arith.constant 112 : i32
        %add3A_694 = arith.addi %mul3A_642, %add3A_693 : i32
        %swap3A_695 = arith.index_cast %add3A_694 : i32 to index
        %swap3A_696 = tpu.vector_load %arg7[%swap3A_695] {strides = array<i32>} : memref<8256xf32, #tpu.memory_space<vmem>>, vector<16xf32>,
        tpu.vector_store %arg7[%swap3A_695], %get3A_665 {strides = array<i32>} : memref<8256xf32, #tpu.memory_space<vmem>>, vector<16xf32>,
      }
      %scan3A_584 = arith.constant 64 : i32
      %scan3A_585 = arith.constant 0 : i32
      %scan3A_586 = arith.constant 0 : i32
      %scan3A_587 = arith.constant 64 : i32
      %scan3A_588 = arith.addi %scan3A_586, %scan3A_587 : i32
      %scan3A_589 = arith.constant 1 : i32
      scf.for %scan3A_640 = %scan3A_586 to %scan3A_588 step %scan3A_589  : i32 {
        %mul3A_641 = arith.constant 2 : i32
        %mul3A_642 = arith.muli %mul3A_641, %scan3A_640 : i32
        %add3A_643 = vector.broadcast %mul3A_642 : i32 to vector<16xi32>
        %add3A_644 = arith.addi %add3A_60, %add3A_643 : vector<16xi32>
        %gather3A = tpu.vector_load_idx %arg7[%add3A_644] : memref<8256xf32, #tpu.memory_space<vmem>>[vector<16xi32>], vector<16xf32>,
        %mul3A_645 = arith.constant 2 : i32
        %mul3A_646 = arith.muli %mul3A_645, %scan3A_640 : i32
        %add3A_647 = vector.broadcast %mul3A_646 : i32 to vector<16xi32>
        %add3A_648 = arith.addi %add3A_123, %add3A_647 : vector<16xi32>
        %gather3A_649 = tpu.vector_load_idx %arg7[%add3A_648] : memref<8256xf32, #tpu.memory_space<vmem>>[vector<16xi32>], vector<16xf32>,
        %mul3A_650 = arith.constant 2 : i32
        %mul3A_651 = arith.muli %mul3A_650, %scan3A_640 : i32
        %add3A_652 = vector.broadcast %mul3A_651 : i32 to vector<16xi32>
        %add3A_653 = arith.addi %add3A_186, %add3A_652 : vector<16xi32>
        %gather3A_654 = tpu.vector_load_idx %arg7[%add3A_653] : memref<8256xf32, #tpu.memory_space<vmem>>[vector<16xi32>], vector<16xf32>,
        %mul3A_655 = arith.constant 2 : i32
        %mul3A_656 = arith.muli %mul3A_655, %scan3A_640 : i32
        %add3A_657 = vector.broadcast %mul3A_656 : i32 to vector<16xi32>
        %add3A_658 = arith.addi %add3A_249, %add3A_657 : vector<16xi32>
        %gather3A_659 = tpu.vector_load_idx %arg7[%add3A_658] : memref<8256xf32, #tpu.memory_space<vmem>>[vector<16xi32>], vector<16xf32>,
        %mul3A_660 = arith.constant 2 : i32
        %mul3A_661 = arith.muli %mul3A_660, %scan3A_640 : i32
        %add3A_662 = vector.broadcast %mul3A_661 : i32 to vector<16xi32>
        %add3A_663 = arith.addi %add3A_312, %add3A_662 : vector<16xi32>
        %gather3A_664 = tpu.vector_load_idx %arg7[%add3A_663] : memref<8256xf32, #tpu.memory_space<vmem>>[vector<16xi32>], vector<16xf32>,
        %mul3A_665 = arith.constant 2 : i32
        %mul3A_666 = arith.muli %mul3A_665, %scan3A_640 : i32
        %add3A_667 = vector.broadcast %mul3A_666 : i32 to vector<16xi32>
        %add3A_668 = arith.addi %add3A_375, %add3A_667 : vector<16xi32>
        %gather3A_669 = tpu.vector_load_idx %arg7[%add3A_668] : memref<8256xf32, #tpu.memory_space<vmem>>[vector<16xi32>], vector<16xf32>,
        %mul3A_670 = arith.constant 2 : i32
        %mul3A_671 = arith.muli %mul3A_670, %scan3A_640 : i32
        %add3A_672 = vector.broadcast %mul3A_671 : i32 to vector<16xi32>
        %add3A_673 = arith.addi %add3A_438, %add3A_672 : vector<16xi32>
        %gather3A_674 = tpu.vector_load_idx %arg7[%add3A_673] : memref<8256xf32, #tpu.memory_space<vmem>>[vector<16xi32>], vector<16xf32>,
        %mul3A_675 = arith.constant 2 : i32
        %mul3A_676 = arith.muli %mul3A_675, %scan3A_640 : i32
        %add3A_677 = vector.broadcast %mul3A_676 : i32 to vector<16xi32>
        %add3A_678 = arith.addi %add3A_501, %add3A_677 : vector<16xi32>
        %gather3A_679 = tpu.vector_load_idx %arg7[%add3A_678] : memref<8256xf32, #tpu.memory_space<vmem>>[vector<16xi32>], vector<16xf32>,
        %swap3A = arith.index_cast %scan3A_640 : i32 to index
        %swap3A_680 = arith.constant 0 : index
        %swap3A_681 = tpu.vector_load %arg8[%swap3A, %swap3A_680] {strides = array<i32>} : memref<64x128xf32, #tpu.memory_space<vmem>>, vector<16xf32>,
        tpu.vector_store %arg8[%swap3A, %swap3A_680], %gather3A {strides = array<i32>} : memref<64x128xf32, #tpu.memory_space<vmem>>, vector<16xf32>,
        %swap3A_682 = arith.index_cast %scan3A_640 : i32 to index
        %swap3A_683 = arith.constant 16 : index
        %swap3A_684 = tpu.vector_load %arg8[%swap3A_682, %swap3A_683] {strides = array<i32>} : memref<64x128xf32, #tpu.memory_space<vmem>>, vector<16xf32>,
        tpu.vector_store %arg8[%swap3A_682, %swap3A_683], %gather3A_649 {strides = array<i32>} : memref<64x128xf32, #tpu.memory_space<vmem>>, vector<16xf32>,
        %swap3A_685 = arith.index_cast %scan3A_640 : i32 to index
        %swap3A_686 = arith.constant 32 : index
        %swap3A_687 = tpu.vector_load %arg8[%swap3A_685, %swap3A_686] {strides = array<i32>} : memref<64x128xf32, #tpu.memory_space<vmem>>, vector<16xf32>,
        tpu.vector_store %arg8[%swap3A_685, %swap3A_686], %gather3A_654 {strides = array<i32>} : memref<64x128xf32, #tpu.memory_space<vmem>>, vector<16xf32>,
        %swap3A_688 = arith.index_cast %scan3A_640 : i32 to index
        %swap3A_689 = arith.constant 48 : index
        %swap3A_690 = tpu.vector_load %arg8[%swap3A_688, %swap3A_689] {strides = array<i32>} : memref<64x128xf32, #tpu.memory_space<vmem>>, vector<16xf32>,
        tpu.vector_store %arg8[%swap3A_688, %swap3A_689], %gather3A_659 {strides = array<i32>} : memref<64x128xf32, #tpu.memory_space<vmem>>, vector<16xf32>,
        %swap3A_691 = arith.index_cast %scan3A_640 : i32 to index
        %swap3A_692 = arith.constant 64 : index
        %swap3A_693 = tpu.vector_load %arg8[%swap3A_691, %swap3A_692] {strides = array<i32>} : memref<64x128xf32, #tpu.memory_space<vmem>>, vector<16xf32>,
        tpu.vector_store %arg8[%swap3A_691, %swap3A_692], %gather3A_664 {strides = array<i32>} : memref<64x128xf32, #tpu.memory_space<vmem>>, vector<16xf32>,
        %swap3A_694 = arith.index_cast %scan3A_640 : i32 to index
        %swap3A_695 = arith.constant 80 : index
        %swap3A_696 = tpu.vector_load %arg8[%swap3A_694, %swap3A_695] {strides = array<i32>} : memref<64x128xf32, #tpu.memory_space<vmem>>, vector<16xf32>,
        tpu.vector_store %arg8[%swap3A_694, %swap3A_695], %gather3A_669 {strides = array<i32>} : memref<64x128xf32, #tpu.memory_space<vmem>>, vector<16xf32>,
        %swap3A_697 = arith.index_cast %scan3A_640 : i32 to index
        %swap3A_698 = arith.constant 96 : index
        %swap3A_699 = tpu.vector_load %arg8[%swap3A_697, %swap3A_698] {strides = array<i32>} : memref<64x128xf32, #tpu.memory_space<vmem>>, vector<16xf32>,
        tpu.vector_store %arg8[%swap3A_697, %swap3A_698], %gather3A_674 {strides = array<i32>} : memref<64x128xf32, #tpu.memory_space<vmem>>, vector<16xf32>,
        %swap3A_700 = arith.index_cast %scan3A_640 : i32 to index
        %swap3A_701 = arith.constant 112 : index
        %swap3A_702 = tpu.vector_load %arg8[%swap3A_700, %swap3A_701] {strides = array<i32>} : memref<64x128xf32, #tpu.memory_space<vmem>>, vector<16xf32>,
        tpu.vector_store %arg8[%swap3A_700, %swap3A_701], %gather3A_679 {strides = array<i32>} : memref<64x128xf32, #tpu.memory_space<vmem>>, vector<16xf32>,
      }
      %scan3A_590 = arith.constant 64 : i32
      %add3A_591 = arith.constant 2 : i32
      %add3A_592 = arith.addi %mul3A_569, %add3A_591 : i32
      %lt3A_593 = arith.cmpi slt, %add3A_592, %add3A_4 : i32
      %convert_element_type3A_594 = arith.extui %lt3A_593 : i1 to i32
      %cond3A_595 = arith.constant 0 : i32
      %cond3A_596 = arith.cmpi ne, %convert_element_type3A_594, %cond3A_595 : i32
      scf.if %cond3A_596 {
        %add3A_640 = arith.constant 2 : i32
        %add3A_641 = arith.addi %mul3A_569, %add3A_640 : i32
        %mul3A_642 = arith.constant 32 : i32
        %mul3A_643 = arith.muli %add3A_641, %mul3A_642 : i32
        %add3A_644 = arith.addi %add3A, %mul3A_643 : i32
        %mul3A_645 = arith.constant 128 : i32
        %mul3A_646 = arith.muli %add3A_644, %mul3A_645 : i32
        %multiple_of3A_647 = tpu.assume_multiple %mul3A_646, 128 : i32
        %dma_start3A_648 = arith.constant 0 : i32
        %dma_start3A_649 = tpu.memref_slice %arg2[%dma_start3A_648, %multiple_of3A_647] : memref<64x1000000xf32, #tpu.memory_space<hbm>> -> memref<64x128xf32, #tpu.memory_space<hbm>>
        %dma_start3A_650 = arith.constant 0 : i32
        %dma_start3A_651 = tpu.memref_slice %arg2[%dma_start3A_650, %multiple_of3A_647] : memref<64x1000000xf32, #tpu.memory_space<hbm>> -> memref<64x128xf32, #tpu.memory_space<hbm>>
        tpu.enqueue_dma source(%dma_start3A_651 : memref<64x128xf32, #tpu.memory_space<hbm>>) target(%arg5 : memref<64x128xf32, #tpu.memory_space<vmem>>) target_semaphore(%arg10 : memref<!tpu.dma_semaphore, #tpu.memory_space<semaphore_mem>>)
      } else {
      }
      %mul3A_597 = arith.constant 32 : i32
      %mul3A_598 = arith.muli %mul3A_569, %mul3A_597 : i32
      %add3A_599 = arith.addi %add3A, %mul3A_598 : i32
      %mul3A_600 = arith.constant 128 : i32
      %mul3A_601 = arith.muli %add3A_599, %mul3A_600 : i32
      %multiple_of3A_602 = tpu.assume_multiple %mul3A_601, 128 : i32
      %jit3A_603 = arith.constant 2 : i32
      %div3A_604 = arith.divsi %multiple_of3A_602, %jit3A_603 : i32
      %sign3A_605 = arith.constant 0 : i32
      %sign3A_606 = arith.cmpi sgt, %multiple_of3A_602, %sign3A_605 : i32
      %sign3A_607 = arith.extui %sign3A_606 : i1 to i32
      %sign3A_608 = arith.constant 0 : i32
      %sign3A_609 = arith.cmpi slt, %multiple_of3A_602, %sign3A_608 : i32
      %sign3A_610 = arith.extui %sign3A_609 : i1 to i32
      %sign3A_611 = arith.subi %sign3A_607, %sign3A_610 : i32
      %sign3A_612 = arith.constant 0 : i32
      %sign3A_613 = arith.cmpi sgt, %jit3A_603, %sign3A_612 : i32
      %sign3A_614 = arith.extui %sign3A_613 : i1 to i32
      %sign3A_615 = arith.constant 0 : i32
      %sign3A_616 = arith.cmpi slt, %jit3A_603, %sign3A_615 : i32
      %sign3A_617 = arith.extui %sign3A_616 : i1 to i32
      %sign3A_618 = arith.subi %sign3A_614, %sign3A_617 : i32
      %ne3A_619 = arith.cmpi ne, %sign3A_611, %sign3A_618 : i32
      %rem3A_620 = arith.remsi %multiple_of3A_602, %jit3A_603 : i32
      %ne3A_621 = arith.constant 0 : i32
      %ne3A_622 = arith.cmpi ne, %rem3A_620, %ne3A_621 : i32
      %and3A_623 = arith.andi %ne3A_619, %ne3A_622 : i1
      %sub3A_624 = arith.constant 1 : i32
      %sub3A_625 = arith.subi %div3A_604, %sub3A_624 : i32
      %select_n3A_626 = arith.select %and3A_623, %sub3A_625, %div3A_604 : i32
      %multiple_of3A_627 = tpu.assume_multiple %select_n3A_626, 64 : i32
      %dma_start3A_628 = arith.constant 0 : i32
      %dma_start3A_629 = tpu.memref_slice %arg4[%multiple_of3A_627, %dma_start3A_628] : memref<500000x128xf32, #tpu.memory_space<hbm>> -> memref<64x128xf32, #tpu.memory_space<hbm>>
      %dma_start3A_630 = arith.constant 0 : i32
      %dma_start3A_631 = tpu.memref_slice %arg4[%multiple_of3A_627, %dma_start3A_630] : memref<500000x128xf32, #tpu.memory_space<hbm>> -> memref<64x128xf32, #tpu.memory_space<hbm>>
      tpu.enqueue_dma source(%arg8 : memref<64x128xf32, #tpu.memory_space<vmem>>) target(%dma_start3A_631 : memref<64x128xf32, #tpu.memory_space<hbm>>) target_semaphore(%arg12 : memref<!tpu.dma_semaphore, #tpu.memory_space<semaphore_mem>>)
      %mul3A_632 = arith.constant 2 : i32
      %mul3A_633 = arith.muli %mul3A_632, %while3A_567 : i32
      %add3A_634 = arith.constant 1 : i32
      %add3A_635 = arith.addi %mul3A_633, %add3A_634 : i32
      %lt3A_636 = arith.cmpi slt, %add3A_635, %add3A_4 : i32
      %convert_element_type3A_637 = arith.extui %lt3A_636 : i1 to i32
      %cond3A_638 = arith.constant 0 : i32
      %cond3A_639 = arith.cmpi ne, %convert_element_type3A_637, %cond3A_638 : i32
      scf.if %cond3A_639 {
        %mul3A_640 = arith.constant 2 : i32
        %mul3A_641 = arith.muli %mul3A_640, %while3A_567 : i32
        %add3A_642 = arith.constant 1 : i32
        %add3A_643 = arith.addi %mul3A_641, %add3A_642 : i32
        %dma_wait3A_644 = arith.constant 0 : i32
        %dma_wait3A_645 = arith.constant 0 : i32
        %dma_wait3A_646 = tpu.memref_slice %arg2[%dma_wait3A_644, %dma_wait3A_645] : memref<64x1000000xf32, #tpu.memory_space<hbm>> -> memref<64x128xf32, #tpu.memory_space<hbm>>
        %dma_wait3A_647 = arith.constant 0 : i32
        %dma_wait3A_648 = arith.constant 0 : i32
        %dma_wait3A_649 = tpu.memref_slice %arg2[%dma_wait3A_647, %dma_wait3A_648] : memref<64x1000000xf32, #tpu.memory_space<hbm>> -> memref<64x128xf32, #tpu.memory_space<hbm>>
        tpu.wait_dma2 semaphore(%arg11 : memref<!tpu.dma_semaphore, #tpu.memory_space<semaphore_mem>>) src(%dma_wait3A_649 : memref<64x128xf32, #tpu.memory_space<hbm>>) dst(%arg6 : memref<64x128xf32, #tpu.memory_space<vmem>>)
        %ge3A_650 = arith.constant 2 : i32
        %ge3A_651 = arith.cmpi sge, %add3A_643, %ge3A_650 : i32
        %convert_element_type3A_652 = arith.extui %ge3A_651 : i1 to i32
        %cond3A_653 = arith.constant 0 : i32
        %cond3A_654 = arith.cmpi ne, %convert_element_type3A_652, %cond3A_653 : i32
        scf.if %cond3A_654 {
          %dma_wait3A_708 = arith.constant 0 : i32
          %dma_wait3A_709 = arith.constant 0 : i32
          %dma_wait3A_710 = tpu.memref_slice %arg4[%dma_wait3A_708, %dma_wait3A_709] : memref<500000x128xf32, #tpu.memory_space<hbm>> -> memref<64x128xf32, #tpu.memory_space<hbm>>
          %dma_wait3A_711 = arith.constant 0 : i32
          %dma_wait3A_712 = arith.constant 0 : i32
          %dma_wait3A_713 = tpu.memref_slice %arg4[%dma_wait3A_711, %dma_wait3A_712] : memref<500000x128xf32, #tpu.memory_space<hbm>> -> memref<64x128xf32, #tpu.memory_space<hbm>>
          tpu.wait_dma2 semaphore(%arg13 : memref<!tpu.dma_semaphore, #tpu.memory_space<semaphore_mem>>) src(%arg9 : memref<64x128xf32, #tpu.memory_space<vmem>>) dst(%dma_wait3A_713 : memref<64x128xf32, #tpu.memory_space<hbm>>)
        } else {
        }
        %scan3A_655 = arith.constant 0 : i32
        %scan3A_656 = arith.constant 0 : i32
        %scan3A_657 = arith.constant 64 : i32
        %scan3A_658 = arith.addi %scan3A_656, %scan3A_657 : i32
        %scan3A_659 = arith.constant 1 : i32
        scf.for %scan3A_708 = %scan3A_656 to %scan3A_658 step %scan3A_659  : i32 {
          %mul3A_709 = arith.constant 129 : i32
          %mul3A_710 = arith.muli %scan3A_708, %mul3A_709 : i32
          %get3A = arith.index_cast %scan3A_708 : i32 to index
          %get3A_711 = arith.constant 0 : index
          %get3A_712 = tpu.vector_load %arg6[%get3A, %get3A_711] {strides = array<i32>} : memref<64x128xf32, #tpu.memory_space<vmem>>, vector<16xf32>,
          %get3A_713 = arith.index_cast %scan3A_708 : i32 to index
          %get3A_714 = arith.constant 16 : index
          %get3A_715 = tpu.vector_load %arg6[%get3A_713, %get3A_714] {strides = array<i32>} : memref<64x128xf32, #tpu.memory_space<vmem>>, vector<16xf32>,
          %get3A_716 = arith.index_cast %scan3A_708 : i32 to index
          %get3A_717 = arith.constant 32 : index
          %get3A_718 = tpu.vector_load %arg6[%get3A_716, %get3A_717] {strides = array<i32>} : memref<64x128xf32, #tpu.memory_space<vmem>>, vector<16xf32>,
          %get3A_719 = arith.index_cast %scan3A_708 : i32 to index
          %get3A_720 = arith.constant 48 : index
          %get3A_721 = tpu.vector_load %arg6[%get3A_719, %get3A_720] {strides = array<i32>} : memref<64x128xf32, #tpu.memory_space<vmem>>, vector<16xf32>,
          %get3A_722 = arith.index_cast %scan3A_708 : i32 to index
          %get3A_723 = arith.constant 64 : index
          %get3A_724 = tpu.vector_load %arg6[%get3A_722, %get3A_723] {strides = array<i32>} : memref<64x128xf32, #tpu.memory_space<vmem>>, vector<16xf32>,
          %get3A_725 = arith.index_cast %scan3A_708 : i32 to index
          %get3A_726 = arith.constant 80 : index
          %get3A_727 = tpu.vector_load %arg6[%get3A_725, %get3A_726] {strides = array<i32>} : memref<64x128xf32, #tpu.memory_space<vmem>>, vector<16xf32>,
          %get3A_728 = arith.index_cast %scan3A_708 : i32 to index
          %get3A_729 = arith.constant 96 : index
          %get3A_730 = tpu.vector_load %arg6[%get3A_728, %get3A_729] {strides = array<i32>} : memref<64x128xf32, #tpu.memory_space<vmem>>, vector<16xf32>,
          %get3A_731 = arith.index_cast %scan3A_708 : i32 to index
          %get3A_732 = arith.constant 112 : index
          %get3A_733 = tpu.vector_load %arg6[%get3A_731, %get3A_732] {strides = array<i32>} : memref<64x128xf32, #tpu.memory_space<vmem>>, vector<16xf32>,
          %add3A_734 = arith.constant 0 : i32
          %add3A_735 = arith.addi %mul3A_710, %add3A_734 : i32
          %swap3A = arith.index_cast %add3A_735 : i32 to index
          %swap3A_736 = tpu.vector_load %arg7[%swap3A] {strides = array<i32>} : memref<8256xf32, #tpu.memory_space<vmem>>, vector<16xf32>,
          tpu.vector_store %arg7[%swap3A], %get3A_712 {strides = array<i32>} : memref<8256xf32, #tpu.memory_space<vmem>>, vector<16xf32>,
          %add3A_737 = arith.constant 16 : i32
          %add3A_738 = arith.addi %mul3A_710, %add3A_737 : i32
          %swap3A_739 = arith.index_cast %add3A_738 : i32 to index
          %swap3A_740 = tpu.vector_load %arg7[%swap3A_739] {strides = array<i32>} : memref<8256xf32, #tpu.memory_space<vmem>>, vector<16xf32>,
          tpu.vector_store %arg7[%swap3A_739], %get3A_715 {strides = array<i32>} : memref<8256xf32, #tpu.memory_space<vmem>>, vector<16xf32>,
          %add3A_741 = arith.constant 32 : i32
          %add3A_742 = arith.addi %mul3A_710, %add3A_741 : i32
          %swap3A_743 = arith.index_cast %add3A_742 : i32 to index
          %swap3A_744 = tpu.vector_load %arg7[%swap3A_743] {strides = array<i32>} : memref<8256xf32, #tpu.memory_space<vmem>>, vector<16xf32>,
          tpu.vector_store %arg7[%swap3A_743], %get3A_718 {strides = array<i32>} : memref<8256xf32, #tpu.memory_space<vmem>>, vector<16xf32>,
          %add3A_745 = arith.constant 48 : i32
          %add3A_746 = arith.addi %mul3A_710, %add3A_745 : i32
          %swap3A_747 = arith.index_cast %add3A_746 : i32 to index
          %swap3A_748 = tpu.vector_load %arg7[%swap3A_747] {strides = array<i32>} : memref<8256xf32, #tpu.memory_space<vmem>>, vector<16xf32>,
          tpu.vector_store %arg7[%swap3A_747], %get3A_721 {strides = array<i32>} : memref<8256xf32, #tpu.memory_space<vmem>>, vector<16xf32>,
          %add3A_749 = arith.constant 64 : i32
          %add3A_750 = arith.addi %mul3A_710, %add3A_749 : i32
          %swap3A_751 = arith.index_cast %add3A_750 : i32 to index
          %swap3A_752 = tpu.vector_load %arg7[%swap3A_751] {strides = array<i32>} : memref<8256xf32, #tpu.memory_space<vmem>>, vector<16xf32>,
          tpu.vector_store %arg7[%swap3A_751], %get3A_724 {strides = array<i32>} : memref<8256xf32, #tpu.memory_space<vmem>>, vector<16xf32>,
          %add3A_753 = arith.constant 80 : i32
          %add3A_754 = arith.addi %mul3A_710, %add3A_753 : i32
          %swap3A_755 = arith.index_cast %add3A_754 : i32 to index
          %swap3A_756 = tpu.vector_load %arg7[%swap3A_755] {strides = array<i32>} : memref<8256xf32, #tpu.memory_space<vmem>>, vector<16xf32>,
          tpu.vector_store %arg7[%swap3A_755], %get3A_727 {strides = array<i32>} : memref<8256xf32, #tpu.memory_space<vmem>>, vector<16xf32>,
          %add3A_757 = arith.constant 96 : i32
          %add3A_758 = arith.addi %mul3A_710, %add3A_757 : i32
          %swap3A_759 = arith.index_cast %add3A_758 : i32 to index
          %swap3A_760 = tpu.vector_load %arg7[%swap3A_759] {strides = array<i32>} : memref<8256xf32, #tpu.memory_space<vmem>>, vector<16xf32>,
          tpu.vector_store %arg7[%swap3A_759], %get3A_730 {strides = array<i32>} : memref<8256xf32, #tpu.memory_space<vmem>>, vector<16xf32>,
          %add3A_761 = arith.constant 112 : i32
          %add3A_762 = arith.addi %mul3A_710, %add3A_761 : i32
          %swap3A_763 = arith.index_cast %add3A_762 : i32 to index
          %swap3A_764 = tpu.vector_load %arg7[%swap3A_763] {strides = array<i32>} : memref<8256xf32, #tpu.memory_space<vmem>>, vector<16xf32>,
          tpu.vector_store %arg7[%swap3A_763], %get3A_733 {strides = array<i32>} : memref<8256xf32, #tpu.memory_space<vmem>>, vector<16xf32>,
        }
        %scan3A_660 = arith.constant 64 : i32
        %scan3A_661 = arith.constant 0 : i32
        %scan3A_662 = arith.constant 0 : i32
        %scan3A_663 = arith.constant 64 : i32
        %scan3A_664 = arith.addi %scan3A_662, %scan3A_663 : i32
        %scan3A_665 = arith.constant 1 : i32
        scf.for %scan3A_708 = %scan3A_662 to %scan3A_664 step %scan3A_665  : i32 {
          %mul3A_709 = arith.constant 2 : i32
          %mul3A_710 = arith.muli %mul3A_709, %scan3A_708 : i32
          %add3A_711 = vector.broadcast %mul3A_710 : i32 to vector<16xi32>
          %add3A_712 = arith.addi %add3A_60, %add3A_711 : vector<16xi32>
          %gather3A = tpu.vector_load_idx %arg7[%add3A_712] : memref<8256xf32, #tpu.memory_space<vmem>>[vector<16xi32>], vector<16xf32>,
          %mul3A_713 = arith.constant 2 : i32
          %mul3A_714 = arith.muli %mul3A_713, %scan3A_708 : i32
          %add3A_715 = vector.broadcast %mul3A_714 : i32 to vector<16xi32>
          %add3A_716 = arith.addi %add3A_123, %add3A_715 : vector<16xi32>
          %gather3A_717 = tpu.vector_load_idx %arg7[%add3A_716] : memref<8256xf32, #tpu.memory_space<vmem>>[vector<16xi32>], vector<16xf32>,
          %mul3A_718 = arith.constant 2 : i32
          %mul3A_719 = arith.muli %mul3A_718, %scan3A_708 : i32
          %add3A_720 = vector.broadcast %mul3A_719 : i32 to vector<16xi32>
          %add3A_721 = arith.addi %add3A_186, %add3A_720 : vector<16xi32>
          %gather3A_722 = tpu.vector_load_idx %arg7[%add3A_721] : memref<8256xf32, #tpu.memory_space<vmem>>[vector<16xi32>], vector<16xf32>,
          %mul3A_723 = arith.constant 2 : i32
          %mul3A_724 = arith.muli %mul3A_723, %scan3A_708 : i32
          %add3A_725 = vector.broadcast %mul3A_724 : i32 to vector<16xi32>
          %add3A_726 = arith.addi %add3A_249, %add3A_725 : vector<16xi32>
          %gather3A_727 = tpu.vector_load_idx %arg7[%add3A_726] : memref<8256xf32, #tpu.memory_space<vmem>>[vector<16xi32>], vector<16xf32>,
          %mul3A_728 = arith.constant 2 : i32
          %mul3A_729 = arith.muli %mul3A_728, %scan3A_708 : i32
          %add3A_730 = vector.broadcast %mul3A_729 : i32 to vector<16xi32>
          %add3A_731 = arith.addi %add3A_312, %add3A_730 : vector<16xi32>
          %gather3A_732 = tpu.vector_load_idx %arg7[%add3A_731] : memref<8256xf32, #tpu.memory_space<vmem>>[vector<16xi32>], vector<16xf32>,
          %mul3A_733 = arith.constant 2 : i32
          %mul3A_734 = arith.muli %mul3A_733, %scan3A_708 : i32
          %add3A_735 = vector.broadcast %mul3A_734 : i32 to vector<16xi32>
          %add3A_736 = arith.addi %add3A_375, %add3A_735 : vector<16xi32>
          %gather3A_737 = tpu.vector_load_idx %arg7[%add3A_736] : memref<8256xf32, #tpu.memory_space<vmem>>[vector<16xi32>], vector<16xf32>,
          %mul3A_738 = arith.constant 2 : i32
          %mul3A_739 = arith.muli %mul3A_738, %scan3A_708 : i32
          %add3A_740 = vector.broadcast %mul3A_739 : i32 to vector<16xi32>
          %add3A_741 = arith.addi %add3A_438, %add3A_740 : vector<16xi32>
          %gather3A_742 = tpu.vector_load_idx %arg7[%add3A_741] : memref<8256xf32, #tpu.memory_space<vmem>>[vector<16xi32>], vector<16xf32>,
          %mul3A_743 = arith.constant 2 : i32
          %mul3A_744 = arith.muli %mul3A_743, %scan3A_708 : i32
          %add3A_745 = vector.broadcast %mul3A_744 : i32 to vector<16xi32>
          %add3A_746 = arith.addi %add3A_501, %add3A_745 : vector<16xi32>
          %gather3A_747 = tpu.vector_load_idx %arg7[%add3A_746] : memref<8256xf32, #tpu.memory_space<vmem>>[vector<16xi32>], vector<16xf32>,
          %swap3A = arith.index_cast %scan3A_708 : i32 to index
          %swap3A_748 = arith.constant 0 : index
          %swap3A_749 = tpu.vector_load %arg9[%swap3A, %swap3A_748] {strides = array<i32>} : memref<64x128xf32, #tpu.memory_space<vmem>>, vector<16xf32>,
          tpu.vector_store %arg9[%swap3A, %swap3A_748], %gather3A {strides = array<i32>} : memref<64x128xf32, #tpu.memory_space<vmem>>, vector<16xf32>,
          %swap3A_750 = arith.index_cast %scan3A_708 : i32 to index
          %swap3A_751 = arith.constant 16 : index
          %swap3A_752 = tpu.vector_load %arg9[%swap3A_750, %swap3A_751] {strides = array<i32>} : memref<64x128xf32, #tpu.memory_space<vmem>>, vector<16xf32>,
          tpu.vector_store %arg9[%swap3A_750, %swap3A_751], %gather3A_717 {strides = array<i32>} : memref<64x128xf32, #tpu.memory_space<vmem>>, vector<16xf32>,
          %swap3A_753 = arith.index_cast %scan3A_708 : i32 to index
          %swap3A_754 = arith.constant 32 : index
          %swap3A_755 = tpu.vector_load %arg9[%swap3A_753, %swap3A_754] {strides = array<i32>} : memref<64x128xf32, #tpu.memory_space<vmem>>, vector<16xf32>,
          tpu.vector_store %arg9[%swap3A_753, %swap3A_754], %gather3A_722 {strides = array<i32>} : memref<64x128xf32, #tpu.memory_space<vmem>>, vector<16xf32>,
          %swap3A_756 = arith.index_cast %scan3A_708 : i32 to index
          %swap3A_757 = arith.constant 48 : index
          %swap3A_758 = tpu.vector_load %arg9[%swap3A_756, %swap3A_757] {strides = array<i32>} : memref<64x128xf32, #tpu.memory_space<vmem>>, vector<16xf32>,
          tpu.vector_store %arg9[%swap3A_756, %swap3A_757], %gather3A_727 {strides = array<i32>} : memref<64x128xf32, #tpu.memory_space<vmem>>, vector<16xf32>,
          %swap3A_759 = arith.index_cast %scan3A_708 : i32 to index
          %swap3A_760 = arith.constant 64 : index
          %swap3A_761 = tpu.vector_load %arg9[%swap3A_759, %swap3A_760] {strides = array<i32>} : memref<64x128xf32, #tpu.memory_space<vmem>>, vector<16xf32>,
          tpu.vector_store %arg9[%swap3A_759, %swap3A_760], %gather3A_732 {strides = array<i32>} : memref<64x128xf32, #tpu.memory_space<vmem>>, vector<16xf32>,
          %swap3A_762 = arith.index_cast %scan3A_708 : i32 to index
          %swap3A_763 = arith.constant 80 : index
          %swap3A_764 = tpu.vector_load %arg9[%swap3A_762, %swap3A_763] {strides = array<i32>} : memref<64x128xf32, #tpu.memory_space<vmem>>, vector<16xf32>,
          tpu.vector_store %arg9[%swap3A_762, %swap3A_763], %gather3A_737 {strides = array<i32>} : memref<64x128xf32, #tpu.memory_space<vmem>>, vector<16xf32>,
          %swap3A_765 = arith.index_cast %scan3A_708 : i32 to index
          %swap3A_766 = arith.constant 96 : index
          %swap3A_767 = tpu.vector_load %arg9[%swap3A_765, %swap3A_766] {strides = array<i32>} : memref<64x128xf32, #tpu.memory_space<vmem>>, vector<16xf32>,
          tpu.vector_store %arg9[%swap3A_765, %swap3A_766], %gather3A_742 {strides = array<i32>} : memref<64x128xf32, #tpu.memory_space<vmem>>, vector<16xf32>,
          %swap3A_768 = arith.index_cast %scan3A_708 : i32 to index
          %swap3A_769 = arith.constant 112 : index
          %swap3A_770 = tpu.vector_load %arg9[%swap3A_768, %swap3A_769] {strides = array<i32>} : memref<64x128xf32, #tpu.memory_space<vmem>>, vector<16xf32>,
          tpu.vector_store %arg9[%swap3A_768, %swap3A_769], %gather3A_747 {strides = array<i32>} : memref<64x128xf32, #tpu.memory_space<vmem>>, vector<16xf32>,
        }
        %scan3A_666 = arith.constant 64 : i32
        %add3A_667 = arith.constant 2 : i32
        %add3A_668 = arith.addi %add3A_643, %add3A_667 : i32
        %lt3A_669 = arith.cmpi slt, %add3A_668, %add3A_4 : i32
        %convert_element_type3A_670 = arith.extui %lt3A_669 : i1 to i32
        %cond3A_671 = arith.constant 0 : i32
        %cond3A_672 = arith.cmpi ne, %convert_element_type3A_670, %cond3A_671 : i32
        scf.if %cond3A_672 {
          %add3A_708 = arith.constant 2 : i32
          %add3A_709 = arith.addi %add3A_643, %add3A_708 : i32
          %mul3A_710 = arith.constant 32 : i32
          %mul3A_711 = arith.muli %add3A_709, %mul3A_710 : i32
          %add3A_712 = arith.addi %add3A, %mul3A_711 : i32
          %mul3A_713 = arith.constant 128 : i32
          %mul3A_714 = arith.muli %add3A_712, %mul3A_713 : i32
          %multiple_of3A_715 = tpu.assume_multiple %mul3A_714, 128 : i32
          %dma_start3A_716 = arith.constant 0 : i32
          %dma_start3A_717 = tpu.memref_slice %arg2[%dma_start3A_716, %multiple_of3A_715] : memref<64x1000000xf32, #tpu.memory_space<hbm>> -> memref<64x128xf32, #tpu.memory_space<hbm>>
          %dma_start3A_718 = arith.constant 0 : i32
          %dma_start3A_719 = tpu.memref_slice %arg2[%dma_start3A_718, %multiple_of3A_715] : memref<64x1000000xf32, #tpu.memory_space<hbm>> -> memref<64x128xf32, #tpu.memory_space<hbm>>
          tpu.enqueue_dma source(%dma_start3A_719 : memref<64x128xf32, #tpu.memory_space<hbm>>) target(%arg6 : memref<64x128xf32, #tpu.memory_space<vmem>>) target_semaphore(%arg11 : memref<!tpu.dma_semaphore, #tpu.memory_space<semaphore_mem>>)
        } else {
        }
        %mul3A_673 = arith.constant 32 : i32
        %mul3A_674 = arith.muli %add3A_643, %mul3A_673 : i32
        %add3A_675 = arith.addi %add3A, %mul3A_674 : i32
        %mul3A_676 = arith.constant 128 : i32
        %mul3A_677 = arith.muli %add3A_675, %mul3A_676 : i32
        %multiple_of3A_678 = tpu.assume_multiple %mul3A_677, 128 : i32
        %jit3A_679 = arith.constant 2 : i32
        %div3A_680 = arith.divsi %multiple_of3A_678, %jit3A_679 : i32
        %sign3A_681 = arith.constant 0 : i32
        %sign3A_682 = arith.cmpi sgt, %multiple_of3A_678, %sign3A_681 : i32
        %sign3A_683 = arith.extui %sign3A_682 : i1 to i32
        %sign3A_684 = arith.constant 0 : i32
        %sign3A_685 = arith.cmpi slt, %multiple_of3A_678, %sign3A_684 : i32
        %sign3A_686 = arith.extui %sign3A_685 : i1 to i32
        %sign3A_687 = arith.subi %sign3A_683, %sign3A_686 : i32
        %sign3A_688 = arith.constant 0 : i32
        %sign3A_689 = arith.cmpi sgt, %jit3A_679, %sign3A_688 : i32
        %sign3A_690 = arith.extui %sign3A_689 : i1 to i32
        %sign3A_691 = arith.constant 0 : i32
        %sign3A_692 = arith.cmpi slt, %jit3A_679, %sign3A_691 : i32
        %sign3A_693 = arith.extui %sign3A_692 : i1 to i32
        %sign3A_694 = arith.subi %sign3A_690, %sign3A_693 : i32
        %ne3A_695 = arith.cmpi ne, %sign3A_687, %sign3A_694 : i32
        %rem3A_696 = arith.remsi %multiple_of3A_678, %jit3A_679 : i32
        %ne3A_697 = arith.constant 0 : i32
        %ne3A_698 = arith.cmpi ne, %rem3A_696, %ne3A_697 : i32
        %and3A_699 = arith.andi %ne3A_695, %ne3A_698 : i1
        %sub3A_700 = arith.constant 1 : i32
        %sub3A_701 = arith.subi %div3A_680, %sub3A_700 : i32
        %select_n3A_702 = arith.select %and3A_699, %sub3A_701, %div3A_680 : i32
        %multiple_of3A_703 = tpu.assume_multiple %select_n3A_702, 64 : i32
        %dma_start3A_704 = arith.constant 0 : i32
        %dma_start3A_705 = tpu.memref_slice %arg4[%multiple_of3A_703, %dma_start3A_704] : memref<500000x128xf32, #tpu.memory_space<hbm>> -> memref<64x128xf32, #tpu.memory_space<hbm>>
        %dma_start3A_706 = arith.constant 0 : i32
        %dma_start3A_707 = tpu.memref_slice %arg4[%multiple_of3A_703, %dma_start3A_706] : memref<500000x128xf32, #tpu.memory_space<hbm>> -> memref<64x128xf32, #tpu.memory_space<hbm>>
        tpu.enqueue_dma source(%arg9 : memref<64x128xf32, #tpu.memory_space<vmem>>) target(%dma_start3A_707 : memref<64x128xf32, #tpu.memory_space<hbm>>) target_semaphore(%arg13 : memref<!tpu.dma_semaphore, #tpu.memory_space<semaphore_mem>>)
      } else {
      }
    }
    %dma_wait3A = arith.constant 0 : i32
    %dma_wait3A_553 = arith.constant 0 : i32
    %dma_wait3A_554 = tpu.memref_slice %arg4[%dma_wait3A, %dma_wait3A_553] : memref<500000x128xf32, #tpu.memory_space<hbm>> -> memref<64x128xf32, #tpu.memory_space<hbm>>
    %dma_wait3A_555 = arith.constant 0 : i32
    %dma_wait3A_556 = arith.constant 0 : i32
    %dma_wait3A_557 = tpu.memref_slice %arg4[%dma_wait3A_555, %dma_wait3A_556] : memref<500000x128xf32, #tpu.memory_space<hbm>> -> memref<64x128xf32, #tpu.memory_space<hbm>>
    tpu.wait_dma2 semaphore(%arg12 : memref<!tpu.dma_semaphore, #tpu.memory_space<semaphore_mem>>) src(%arg8 : memref<64x128xf32, #tpu.memory_space<vmem>>) dst(%dma_wait3A_557 : memref<64x128xf32, #tpu.memory_space<hbm>>)
    %dma_wait3A_558 = arith.constant 0 : i32
    %dma_wait3A_559 = arith.constant 0 : i32
    %dma_wait3A_560 = tpu.memref_slice %arg4[%dma_wait3A_558, %dma_wait3A_559] : memref<500000x128xf32, #tpu.memory_space<hbm>> -> memref<64x128xf32, #tpu.memory_space<hbm>>
    %dma_wait3A_561 = arith.constant 0 : i32
    %dma_wait3A_562 = arith.constant 0 : i32
    %dma_wait3A_563 = tpu.memref_slice %arg4[%dma_wait3A_561, %dma_wait3A_562] : memref<500000x128xf32, #tpu.memory_space<hbm>> -> memref<64x128xf32, #tpu.memory_space<hbm>>
    tpu.wait_dma2 semaphore(%arg13 : memref<!tpu.dma_semaphore, #tpu.memory_space<semaphore_mem>>) src(%arg9 : memref<64x128xf32, #tpu.memory_space<vmem>>) dst(%dma_wait3A_563 : memref<64x128xf32, #tpu.memory_space<hbm>>)
    %eq3A_564 = arith.constant 0 : i32
    %eq3A_565 = arith.cmpi eq, %add3A, %eq3A_564 : i32
    %convert_element_type3A = arith.extui %eq3A_565 : i1 to i32
    %cond3A = arith.constant 0 : i32
    %cond3A_566 = arith.cmpi ne, %convert_element_type3A, %cond3A : i32
    scf.if %cond3A_566 {
      "tpu.region"() ({
        %run_scoped3A = tpu.sem_alloc : memref<!tpu.dma_semaphore, #tpu.memory_space<semaphore_mem>>
        tpu.enqueue_dma source(%arg3 : memref<64x128xf32, #tpu.memory_space<hbm>>) target(%arg5 : memref<64x128xf32, #tpu.memory_space<vmem>>) target_semaphore(%run_scoped3A : memref<!tpu.dma_semaphore, #tpu.memory_space<semaphore_mem>>)
        tpu.wait_dma2 semaphore(%run_scoped3A : memref<!tpu.dma_semaphore, #tpu.memory_space<semaphore_mem>>) src(%arg3 : memref<64x128xf32, #tpu.memory_space<hbm>>) dst(%arg5 : memref<64x128xf32, #tpu.memory_space<vmem>>)
        tpu.yield
      }) : () -> ()
      %scan3A = arith.constant 0 : i32
      %scan3A_567 = arith.constant 0 : i32
      %scan3A_568 = arith.constant 64 : i32
      %scan3A_569 = arith.addi %scan3A_567, %scan3A_568 : i32
      %scan3A_570 = arith.constant 1 : i32
      scf.for %scan3A_1082 = %scan3A_567 to %scan3A_569 step %scan3A_570  : i32 {
        %mul3A_1083 = arith.constant 129 : i32
        %mul3A_1084 = arith.muli %scan3A_1082, %mul3A_1083 : i32
        %get3A = arith.index_cast %scan3A_1082 : i32 to index
        %get3A_1085 = arith.constant 0 : index
        %get3A_1086 = tpu.vector_load %arg5[%get3A, %get3A_1085] {strides = array<i32>} : memref<64x128xf32, #tpu.memory_space<vmem>>, vector<16xf32>,
        %get3A_1087 = arith.index_cast %scan3A_1082 : i32 to index
        %get3A_1088 = arith.constant 16 : index
        %get3A_1089 = tpu.vector_load %arg5[%get3A_1087, %get3A_1088] {strides = array<i32>} : memref<64x128xf32, #tpu.memory_space<vmem>>, vector<16xf32>,
        %get3A_1090 = arith.index_cast %scan3A_1082 : i32 to index
        %get3A_1091 = arith.constant 32 : index
        %get3A_1092 = tpu.vector_load %arg5[%get3A_1090, %get3A_1091] {strides = array<i32>} : memref<64x128xf32, #tpu.memory_space<vmem>>, vector<16xf32>,
        %get3A_1093 = arith.index_cast %scan3A_1082 : i32 to index
        %get3A_1094 = arith.constant 48 : index
        %get3A_1095 = tpu.vector_load %arg5[%get3A_1093, %get3A_1094] {strides = array<i32>} : memref<64x128xf32, #tpu.memory_space<vmem>>, vector<16xf32>,
        %get3A_1096 = arith.index_cast %scan3A_1082 : i32 to index
        %get3A_1097 = arith.constant 64 : index
        %get3A_1098 = tpu.vector_load %arg5[%get3A_1096, %get3A_1097] {strides = array<i32>} : memref<64x128xf32, #tpu.memory_space<vmem>>, vector<16xf32>,
        %get3A_1099 = arith.index_cast %scan3A_1082 : i32 to index
        %get3A_1100 = arith.constant 80 : index
        %get3A_1101 = tpu.vector_load %arg5[%get3A_1099, %get3A_1100] {strides = array<i32>} : memref<64x128xf32, #tpu.memory_space<vmem>>, vector<16xf32>,
        %get3A_1102 = arith.index_cast %scan3A_1082 : i32 to index
        %get3A_1103 = arith.constant 96 : index
        %get3A_1104 = tpu.vector_load %arg5[%get3A_1102, %get3A_1103] {strides = array<i32>} : memref<64x128xf32, #tpu.memory_space<vmem>>, vector<16xf32>,
        %get3A_1105 = arith.index_cast %scan3A_1082 : i32 to index
        %get3A_1106 = arith.constant 112 : index
        %get3A_1107 = tpu.vector_load %arg5[%get3A_1105, %get3A_1106] {strides = array<i32>} : memref<64x128xf32, #tpu.memory_space<vmem>>, vector<16xf32>,
        %add3A_1108 = arith.constant 0 : i32
        %add3A_1109 = arith.addi %mul3A_1084, %add3A_1108 : i32
        %swap3A = arith.index_cast %add3A_1109 : i32 to index
        %swap3A_1110 = tpu.vector_load %arg7[%swap3A] {strides = array<i32>} : memref<8256xf32, #tpu.memory_space<vmem>>, vector<16xf32>,
        tpu.vector_store %arg7[%swap3A], %get3A_1086 {strides = array<i32>} : memref<8256xf32, #tpu.memory_space<vmem>>, vector<16xf32>,
        %add3A_1111 = arith.constant 16 : i32
        %add3A_1112 = arith.addi %mul3A_1084, %add3A_1111 : i32
        %swap3A_1113 = arith.index_cast %add3A_1112 : i32 to index
        %swap3A_1114 = tpu.vector_load %arg7[%swap3A_1113] {strides = array<i32>} : memref<8256xf32, #tpu.memory_space<vmem>>, vector<16xf32>,
        tpu.vector_store %arg7[%swap3A_1113], %get3A_1089 {strides = array<i32>} : memref<8256xf32, #tpu.memory_space<vmem>>, vector<16xf32>,
        %add3A_1115 = arith.constant 32 : i32
        %add3A_1116 = arith.addi %mul3A_1084, %add3A_1115 : i32
        %swap3A_1117 = arith.index_cast %add3A_1116 : i32 to index
        %swap3A_1118 = tpu.vector_load %arg7[%swap3A_1117] {strides = array<i32>} : memref<8256xf32, #tpu.memory_space<vmem>>, vector<16xf32>,
        tpu.vector_store %arg7[%swap3A_1117], %get3A_1092 {strides = array<i32>} : memref<8256xf32, #tpu.memory_space<vmem>>, vector<16xf32>,
        %add3A_1119 = arith.constant 48 : i32
        %add3A_1120 = arith.addi %mul3A_1084, %add3A_1119 : i32
        %swap3A_1121 = arith.index_cast %add3A_1120 : i32 to index
        %swap3A_1122 = tpu.vector_load %arg7[%swap3A_1121] {strides = array<i32>} : memref<8256xf32, #tpu.memory_space<vmem>>, vector<16xf32>,
        tpu.vector_store %arg7[%swap3A_1121], %get3A_1095 {strides = array<i32>} : memref<8256xf32, #tpu.memory_space<vmem>>, vector<16xf32>,
        %add3A_1123 = arith.constant 64 : i32
        %add3A_1124 = arith.addi %mul3A_1084, %add3A_1123 : i32
        %swap3A_1125 = arith.index_cast %add3A_1124 : i32 to index
        %swap3A_1126 = tpu.vector_load %arg7[%swap3A_1125] {strides = array<i32>} : memref<8256xf32, #tpu.memory_space<vmem>>, vector<16xf32>,
        tpu.vector_store %arg7[%swap3A_1125], %get3A_1098 {strides = array<i32>} : memref<8256xf32, #tpu.memory_space<vmem>>, vector<16xf32>,
        %add3A_1127 = arith.constant 80 : i32
        %add3A_1128 = arith.addi %mul3A_1084, %add3A_1127 : i32
        %swap3A_1129 = arith.index_cast %add3A_1128 : i32 to index
        %swap3A_1130 = tpu.vector_load %arg7[%swap3A_1129] {strides = array<i32>} : memref<8256xf32, #tpu.memory_space<vmem>>, vector<16xf32>,
        tpu.vector_store %arg7[%swap3A_1129], %get3A_1101 {strides = array<i32>} : memref<8256xf32, #tpu.memory_space<vmem>>, vector<16xf32>,
        %add3A_1131 = arith.constant 96 : i32
        %add3A_1132 = arith.addi %mul3A_1084, %add3A_1131 : i32
        %swap3A_1133 = arith.index_cast %add3A_1132 : i32 to index
        %swap3A_1134 = tpu.vector_load %arg7[%swap3A_1133] {strides = array<i32>} : memref<8256xf32, #tpu.memory_space<vmem>>, vector<16xf32>,
        tpu.vector_store %arg7[%swap3A_1133], %get3A_1104 {strides = array<i32>} : memref<8256xf32, #tpu.memory_space<vmem>>, vector<16xf32>,
        %add3A_1135 = arith.constant 112 : i32
        %add3A_1136 = arith.addi %mul3A_1084, %add3A_1135 : i32
        %swap3A_1137 = arith.index_cast %add3A_1136 : i32 to index
        %swap3A_1138 = tpu.vector_load %arg7[%swap3A_1137] {strides = array<i32>} : memref<8256xf32, #tpu.memory_space<vmem>>, vector<16xf32>,
        tpu.vector_store %arg7[%swap3A_1137], %get3A_1107 {strides = array<i32>} : memref<8256xf32, #tpu.memory_space<vmem>>, vector<16xf32>,
      }
      %scan3A_571 = arith.constant 64 : i32
      %add3A_572 = arith.constant 0 : i32
      %add3A_573 = vector.broadcast %add3A_572 : i32 to vector<16xi32>
      %add3A_574 = arith.addi %iota3A, %add3A_573 : vector<16xi32>
      %jit3A_575 = arith.constant 64 : i32
      %div3A_576 = vector.broadcast %jit3A_575 : i32 to vector<16xi32>
      %div3A_577 = arith.divsi %add3A_574, %div3A_576 : vector<16xi32>
      %sign3A_578 = arith.constant 0 : i32
      %sign3A_579 = vector.broadcast %sign3A_578 : i32 to vector<16xi32>
      %sign3A_580 = arith.cmpi sgt, %add3A_574, %sign3A_579 : vector<16xi32>
      %sign3A_581 = arith.extui %sign3A_580 : vector<16xi1> to vector<16xi32>
      %sign3A_582 = arith.constant 0 : i32
      %sign3A_583 = vector.broadcast %sign3A_582 : i32 to vector<16xi32>
      %sign3A_584 = arith.cmpi slt, %add3A_574, %sign3A_583 : vector<16xi32>
      %sign3A_585 = arith.extui %sign3A_584 : vector<16xi1> to vector<16xi32>
      %sign3A_586 = arith.subi %sign3A_581, %sign3A_585 : vector<16xi32>
      %sign3A_587 = arith.constant 0 : i32
      %sign3A_588 = arith.cmpi sgt, %jit3A_575, %sign3A_587 : i32
      %sign3A_589 = arith.extui %sign3A_588 : i1 to i32
      %sign3A_590 = arith.constant 0 : i32
      %sign3A_591 = arith.cmpi slt, %jit3A_575, %sign3A_590 : i32
      %sign3A_592 = arith.extui %sign3A_591 : i1 to i32
      %sign3A_593 = arith.subi %sign3A_589, %sign3A_592 : i32
      %ne3A_594 = vector.broadcast %sign3A_593 : i32 to vector<16xi32>
      %ne3A_595 = arith.cmpi ne, %sign3A_586, %ne3A_594 : vector<16xi32>
      %rem3A_596 = vector.broadcast %jit3A_575 : i32 to vector<16xi32>
      %rem3A_597 = arith.remsi %add3A_574, %rem3A_596 : vector<16xi32>
      %ne3A_598 = arith.constant 0 : i32
      %ne3A_599 = vector.broadcast %ne3A_598 : i32 to vector<16xi32>
      %ne3A_600 = arith.cmpi ne, %rem3A_597, %ne3A_599 : vector<16xi32>
      %and3A_601 = arith.andi %ne3A_595, %ne3A_600 : vector<16xi1>
      %sub3A_602 = arith.constant 1 : i32
      %sub3A_603 = vector.broadcast %sub3A_602 : i32 to vector<16xi32>
      %sub3A_604 = arith.subi %div3A_577, %sub3A_603 : vector<16xi32>
      %select_n3A_605 = arith.select %and3A_601, %sub3A_604, %div3A_577 : vector<16xi1>, vector<16xi32>
      %mul3A_606 = arith.constant 129 : i32
      %mul3A_607 = vector.broadcast %mul3A_606 : i32 to vector<16xi32>
      %mul3A_608 = arith.muli %select_n3A_605, %mul3A_607 : vector<16xi32>
      %add3A_609 = arith.constant 0 : i32
      %add3A_610 = vector.broadcast %add3A_609 : i32 to vector<16xi32>
      %add3A_611 = arith.addi %iota3A, %add3A_610 : vector<16xi32>
      %jit3A_612 = arith.constant 64 : i32
      %eq3A_613 = arith.constant 0 : i32
      %eq3A_614 = arith.cmpi eq, %jit3A_612, %eq3A_613 : i32
      %jit3A_615 = arith.constant 1 : i32
      %select_n3A_616 = arith.select %eq3A_614, %jit3A_615, %jit3A_612 : i32
      %rem3A_617 = vector.broadcast %select_n3A_616 : i32 to vector<16xi32>
      %rem3A_618 = arith.remsi %add3A_611, %rem3A_617 : vector<16xi32>
      %ne3A_619 = arith.constant 0 : i32
      %ne3A_620 = vector.broadcast %ne3A_619 : i32 to vector<16xi32>
      %ne3A_621 = arith.cmpi ne, %rem3A_618, %ne3A_620 : vector<16xi32>
      %lt3A_622 = arith.constant 0 : i32
      %lt3A_623 = vector.broadcast %lt3A_622 : i32 to vector<16xi32>
      %lt3A_624 = arith.cmpi slt, %rem3A_618, %lt3A_623 : vector<16xi32>
      %lt3A_625 = arith.constant 0 : i32
      %lt3A_626 = arith.cmpi slt, %select_n3A_616, %lt3A_625 : i32
      %ne3A_627 = vector.broadcast %lt3A_626 : i1 to vector<16xi1>
      %ne3A_628 = vector.broadcast %ne3A_627 : vector<16xi1> to vector<16xi1>
      %ne3A_629 = arith.xori %lt3A_624, %ne3A_628 : vector<16xi1>
      %and3A_630 = arith.andi %ne3A_629, %ne3A_621 : vector<16xi1>
      %add3A_631 = vector.broadcast %select_n3A_616 : i32 to vector<16xi32>
      %add3A_632 = arith.addi %rem3A_618, %add3A_631 : vector<16xi32>
      %select_n3A_633 = arith.select %and3A_630, %add3A_632, %rem3A_618 : vector<16xi1>, vector<16xi32>
      %add3A_634 = arith.addi %mul3A_608, %select_n3A_633 : vector<16xi32>
      %add3A_635 = arith.constant 16 : i32
      %add3A_636 = vector.broadcast %add3A_635 : i32 to vector<16xi32>
      %add3A_637 = arith.addi %iota3A, %add3A_636 : vector<16xi32>
      %jit3A_638 = arith.constant 64 : i32
      %div3A_639 = vector.broadcast %jit3A_638 : i32 to vector<16xi32>
      %div3A_640 = arith.divsi %add3A_637, %div3A_639 : vector<16xi32>
      %sign3A_641 = arith.constant 0 : i32
      %sign3A_642 = vector.broadcast %sign3A_641 : i32 to vector<16xi32>
      %sign3A_643 = arith.cmpi sgt, %add3A_637, %sign3A_642 : vector<16xi32>
      %sign3A_644 = arith.extui %sign3A_643 : vector<16xi1> to vector<16xi32>
      %sign3A_645 = arith.constant 0 : i32
      %sign3A_646 = vector.broadcast %sign3A_645 : i32 to vector<16xi32>
      %sign3A_647 = arith.cmpi slt, %add3A_637, %sign3A_646 : vector<16xi32>
      %sign3A_648 = arith.extui %sign3A_647 : vector<16xi1> to vector<16xi32>
      %sign3A_649 = arith.subi %sign3A_644, %sign3A_648 : vector<16xi32>
      %sign3A_650 = arith.constant 0 : i32
      %sign3A_651 = arith.cmpi sgt, %jit3A_638, %sign3A_650 : i32
      %sign3A_652 = arith.extui %sign3A_651 : i1 to i32
      %sign3A_653 = arith.constant 0 : i32
      %sign3A_654 = arith.cmpi slt, %jit3A_638, %sign3A_653 : i32
      %sign3A_655 = arith.extui %sign3A_654 : i1 to i32
      %sign3A_656 = arith.subi %sign3A_652, %sign3A_655 : i32
      %ne3A_657 = vector.broadcast %sign3A_656 : i32 to vector<16xi32>
      %ne3A_658 = arith.cmpi ne, %sign3A_649, %ne3A_657 : vector<16xi32>
      %rem3A_659 = vector.broadcast %jit3A_638 : i32 to vector<16xi32>
      %rem3A_660 = arith.remsi %add3A_637, %rem3A_659 : vector<16xi32>
      %ne3A_661 = arith.constant 0 : i32
      %ne3A_662 = vector.broadcast %ne3A_661 : i32 to vector<16xi32>
      %ne3A_663 = arith.cmpi ne, %rem3A_660, %ne3A_662 : vector<16xi32>
      %and3A_664 = arith.andi %ne3A_658, %ne3A_663 : vector<16xi1>
      %sub3A_665 = arith.constant 1 : i32
      %sub3A_666 = vector.broadcast %sub3A_665 : i32 to vector<16xi32>
      %sub3A_667 = arith.subi %div3A_640, %sub3A_666 : vector<16xi32>
      %select_n3A_668 = arith.select %and3A_664, %sub3A_667, %div3A_640 : vector<16xi1>, vector<16xi32>
      %mul3A_669 = arith.constant 129 : i32
      %mul3A_670 = vector.broadcast %mul3A_669 : i32 to vector<16xi32>
      %mul3A_671 = arith.muli %select_n3A_668, %mul3A_670 : vector<16xi32>
      %add3A_672 = arith.constant 16 : i32
      %add3A_673 = vector.broadcast %add3A_672 : i32 to vector<16xi32>
      %add3A_674 = arith.addi %iota3A, %add3A_673 : vector<16xi32>
      %jit3A_675 = arith.constant 64 : i32
      %eq3A_676 = arith.constant 0 : i32
      %eq3A_677 = arith.cmpi eq, %jit3A_675, %eq3A_676 : i32
      %jit3A_678 = arith.constant 1 : i32
      %select_n3A_679 = arith.select %eq3A_677, %jit3A_678, %jit3A_675 : i32
      %rem3A_680 = vector.broadcast %select_n3A_679 : i32 to vector<16xi32>
      %rem3A_681 = arith.remsi %add3A_674, %rem3A_680 : vector<16xi32>
      %ne3A_682 = arith.constant 0 : i32
      %ne3A_683 = vector.broadcast %ne3A_682 : i32 to vector<16xi32>
      %ne3A_684 = arith.cmpi ne, %rem3A_681, %ne3A_683 : vector<16xi32>
      %lt3A_685 = arith.constant 0 : i32
      %lt3A_686 = vector.broadcast %lt3A_685 : i32 to vector<16xi32>
      %lt3A_687 = arith.cmpi slt, %rem3A_681, %lt3A_686 : vector<16xi32>
      %lt3A_688 = arith.constant 0 : i32
      %lt3A_689 = arith.cmpi slt, %select_n3A_679, %lt3A_688 : i32
      %ne3A_690 = vector.broadcast %lt3A_689 : i1 to vector<16xi1>
      %ne3A_691 = vector.broadcast %ne3A_690 : vector<16xi1> to vector<16xi1>
      %ne3A_692 = arith.xori %lt3A_687, %ne3A_691 : vector<16xi1>
      %and3A_693 = arith.andi %ne3A_692, %ne3A_684 : vector<16xi1>
      %add3A_694 = vector.broadcast %select_n3A_679 : i32 to vector<16xi32>
      %add3A_695 = arith.addi %rem3A_681, %add3A_694 : vector<16xi32>
      %select_n3A_696 = arith.select %and3A_693, %add3A_695, %rem3A_681 : vector<16xi1>, vector<16xi32>
      %add3A_697 = arith.addi %mul3A_671, %select_n3A_696 : vector<16xi32>
      %add3A_698 = arith.constant 32 : i32
      %add3A_699 = vector.broadcast %add3A_698 : i32 to vector<16xi32>
      %add3A_700 = arith.addi %iota3A, %add3A_699 : vector<16xi32>
      %jit3A_701 = arith.constant 64 : i32
      %div3A_702 = vector.broadcast %jit3A_701 : i32 to vector<16xi32>
      %div3A_703 = arith.divsi %add3A_700, %div3A_702 : vector<16xi32>
      %sign3A_704 = arith.constant 0 : i32
      %sign3A_705 = vector.broadcast %sign3A_704 : i32 to vector<16xi32>
      %sign3A_706 = arith.cmpi sgt, %add3A_700, %sign3A_705 : vector<16xi32>
      %sign3A_707 = arith.extui %sign3A_706 : vector<16xi1> to vector<16xi32>
      %sign3A_708 = arith.constant 0 : i32
      %sign3A_709 = vector.broadcast %sign3A_708 : i32 to vector<16xi32>
      %sign3A_710 = arith.cmpi slt, %add3A_700, %sign3A_709 : vector<16xi32>
      %sign3A_711 = arith.extui %sign3A_710 : vector<16xi1> to vector<16xi32>
      %sign3A_712 = arith.subi %sign3A_707, %sign3A_711 : vector<16xi32>
      %sign3A_713 = arith.constant 0 : i32
      %sign3A_714 = arith.cmpi sgt, %jit3A_701, %sign3A_713 : i32
      %sign3A_715 = arith.extui %sign3A_714 : i1 to i32
      %sign3A_716 = arith.constant 0 : i32
      %sign3A_717 = arith.cmpi slt, %jit3A_701, %sign3A_716 : i32
      %sign3A_718 = arith.extui %sign3A_717 : i1 to i32
      %sign3A_719 = arith.subi %sign3A_715, %sign3A_718 : i32
      %ne3A_720 = vector.broadcast %sign3A_719 : i32 to vector<16xi32>
      %ne3A_721 = arith.cmpi ne, %sign3A_712, %ne3A_720 : vector<16xi32>
      %rem3A_722 = vector.broadcast %jit3A_701 : i32 to vector<16xi32>
      %rem3A_723 = arith.remsi %add3A_700, %rem3A_722 : vector<16xi32>
      %ne3A_724 = arith.constant 0 : i32
      %ne3A_725 = vector.broadcast %ne3A_724 : i32 to vector<16xi32>
      %ne3A_726 = arith.cmpi ne, %rem3A_723, %ne3A_725 : vector<16xi32>
      %and3A_727 = arith.andi %ne3A_721, %ne3A_726 : vector<16xi1>
      %sub3A_728 = arith.constant 1 : i32
      %sub3A_729 = vector.broadcast %sub3A_728 : i32 to vector<16xi32>
      %sub3A_730 = arith.subi %div3A_703, %sub3A_729 : vector<16xi32>
      %select_n3A_731 = arith.select %and3A_727, %sub3A_730, %div3A_703 : vector<16xi1>, vector<16xi32>
      %mul3A_732 = arith.constant 129 : i32
      %mul3A_733 = vector.broadcast %mul3A_732 : i32 to vector<16xi32>
      %mul3A_734 = arith.muli %select_n3A_731, %mul3A_733 : vector<16xi32>
      %add3A_735 = arith.constant 32 : i32
      %add3A_736 = vector.broadcast %add3A_735 : i32 to vector<16xi32>
      %add3A_737 = arith.addi %iota3A, %add3A_736 : vector<16xi32>
      %jit3A_738 = arith.constant 64 : i32
      %eq3A_739 = arith.constant 0 : i32
      %eq3A_740 = arith.cmpi eq, %jit3A_738, %eq3A_739 : i32
      %jit3A_741 = arith.constant 1 : i32
      %select_n3A_742 = arith.select %eq3A_740, %jit3A_741, %jit3A_738 : i32
      %rem3A_743 = vector.broadcast %select_n3A_742 : i32 to vector<16xi32>
      %rem3A_744 = arith.remsi %add3A_737, %rem3A_743 : vector<16xi32>
      %ne3A_745 = arith.constant 0 : i32
      %ne3A_746 = vector.broadcast %ne3A_745 : i32 to vector<16xi32>
      %ne3A_747 = arith.cmpi ne, %rem3A_744, %ne3A_746 : vector<16xi32>
      %lt3A_748 = arith.constant 0 : i32
      %lt3A_749 = vector.broadcast %lt3A_748 : i32 to vector<16xi32>
      %lt3A_750 = arith.cmpi slt, %rem3A_744, %lt3A_749 : vector<16xi32>
      %lt3A_751 = arith.constant 0 : i32
      %lt3A_752 = arith.cmpi slt, %select_n3A_742, %lt3A_751 : i32
      %ne3A_753 = vector.broadcast %lt3A_752 : i1 to vector<16xi1>
      %ne3A_754 = vector.broadcast %ne3A_753 : vector<16xi1> to vector<16xi1>
      %ne3A_755 = arith.xori %lt3A_750, %ne3A_754 : vector<16xi1>
      %and3A_756 = arith.andi %ne3A_755, %ne3A_747 : vector<16xi1>
      %add3A_757 = vector.broadcast %select_n3A_742 : i32 to vector<16xi32>
      %add3A_758 = arith.addi %rem3A_744, %add3A_757 : vector<16xi32>
      %select_n3A_759 = arith.select %and3A_756, %add3A_758, %rem3A_744 : vector<16xi1>, vector<16xi32>
      %add3A_760 = arith.addi %mul3A_734, %select_n3A_759 : vector<16xi32>
      %add3A_761 = arith.constant 48 : i32
      %add3A_762 = vector.broadcast %add3A_761 : i32 to vector<16xi32>
      %add3A_763 = arith.addi %iota3A, %add3A_762 : vector<16xi32>
      %jit3A_764 = arith.constant 64 : i32
      %div3A_765 = vector.broadcast %jit3A_764 : i32 to vector<16xi32>
      %div3A_766 = arith.divsi %add3A_763, %div3A_765 : vector<16xi32>
      %sign3A_767 = arith.constant 0 : i32
      %sign3A_768 = vector.broadcast %sign3A_767 : i32 to vector<16xi32>
      %sign3A_769 = arith.cmpi sgt, %add3A_763, %sign3A_768 : vector<16xi32>
      %sign3A_770 = arith.extui %sign3A_769 : vector<16xi1> to vector<16xi32>
      %sign3A_771 = arith.constant 0 : i32
      %sign3A_772 = vector.broadcast %sign3A_771 : i32 to vector<16xi32>
      %sign3A_773 = arith.cmpi slt, %add3A_763, %sign3A_772 : vector<16xi32>
      %sign3A_774 = arith.extui %sign3A_773 : vector<16xi1> to vector<16xi32>
      %sign3A_775 = arith.subi %sign3A_770, %sign3A_774 : vector<16xi32>
      %sign3A_776 = arith.constant 0 : i32
      %sign3A_777 = arith.cmpi sgt, %jit3A_764, %sign3A_776 : i32
      %sign3A_778 = arith.extui %sign3A_777 : i1 to i32
      %sign3A_779 = arith.constant 0 : i32
      %sign3A_780 = arith.cmpi slt, %jit3A_764, %sign3A_779 : i32
      %sign3A_781 = arith.extui %sign3A_780 : i1 to i32
      %sign3A_782 = arith.subi %sign3A_778, %sign3A_781 : i32
      %ne3A_783 = vector.broadcast %sign3A_782 : i32 to vector<16xi32>
      %ne3A_784 = arith.cmpi ne, %sign3A_775, %ne3A_783 : vector<16xi32>
      %rem3A_785 = vector.broadcast %jit3A_764 : i32 to vector<16xi32>
      %rem3A_786 = arith.remsi %add3A_763, %rem3A_785 : vector<16xi32>
      %ne3A_787 = arith.constant 0 : i32
      %ne3A_788 = vector.broadcast %ne3A_787 : i32 to vector<16xi32>
      %ne3A_789 = arith.cmpi ne, %rem3A_786, %ne3A_788 : vector<16xi32>
      %and3A_790 = arith.andi %ne3A_784, %ne3A_789 : vector<16xi1>
      %sub3A_791 = arith.constant 1 : i32
      %sub3A_792 = vector.broadcast %sub3A_791 : i32 to vector<16xi32>
      %sub3A_793 = arith.subi %div3A_766, %sub3A_792 : vector<16xi32>
      %select_n3A_794 = arith.select %and3A_790, %sub3A_793, %div3A_766 : vector<16xi1>, vector<16xi32>
      %mul3A_795 = arith.constant 129 : i32
      %mul3A_796 = vector.broadcast %mul3A_795 : i32 to vector<16xi32>
      %mul3A_797 = arith.muli %select_n3A_794, %mul3A_796 : vector<16xi32>
      %add3A_798 = arith.constant 48 : i32
      %add3A_799 = vector.broadcast %add3A_798 : i32 to vector<16xi32>
      %add3A_800 = arith.addi %iota3A, %add3A_799 : vector<16xi32>
      %jit3A_801 = arith.constant 64 : i32
      %eq3A_802 = arith.constant 0 : i32
      %eq3A_803 = arith.cmpi eq, %jit3A_801, %eq3A_802 : i32
      %jit3A_804 = arith.constant 1 : i32
      %select_n3A_805 = arith.select %eq3A_803, %jit3A_804, %jit3A_801 : i32
      %rem3A_806 = vector.broadcast %select_n3A_805 : i32 to vector<16xi32>
      %rem3A_807 = arith.remsi %add3A_800, %rem3A_806 : vector<16xi32>
      %ne3A_808 = arith.constant 0 : i32
      %ne3A_809 = vector.broadcast %ne3A_808 : i32 to vector<16xi32>
      %ne3A_810 = arith.cmpi ne, %rem3A_807, %ne3A_809 : vector<16xi32>
      %lt3A_811 = arith.constant 0 : i32
      %lt3A_812 = vector.broadcast %lt3A_811 : i32 to vector<16xi32>
      %lt3A_813 = arith.cmpi slt, %rem3A_807, %lt3A_812 : vector<16xi32>
      %lt3A_814 = arith.constant 0 : i32
      %lt3A_815 = arith.cmpi slt, %select_n3A_805, %lt3A_814 : i32
      %ne3A_816 = vector.broadcast %lt3A_815 : i1 to vector<16xi1>
      %ne3A_817 = vector.broadcast %ne3A_816 : vector<16xi1> to vector<16xi1>
      %ne3A_818 = arith.xori %lt3A_813, %ne3A_817 : vector<16xi1>
      %and3A_819 = arith.andi %ne3A_818, %ne3A_810 : vector<16xi1>
      %add3A_820 = vector.broadcast %select_n3A_805 : i32 to vector<16xi32>
      %add3A_821 = arith.addi %rem3A_807, %add3A_820 : vector<16xi32>
      %select_n3A_822 = arith.select %and3A_819, %add3A_821, %rem3A_807 : vector<16xi1>, vector<16xi32>
      %add3A_823 = arith.addi %mul3A_797, %select_n3A_822 : vector<16xi32>
      %add3A_824 = arith.constant 64 : i32
      %add3A_825 = vector.broadcast %add3A_824 : i32 to vector<16xi32>
      %add3A_826 = arith.addi %iota3A, %add3A_825 : vector<16xi32>
      %jit3A_827 = arith.constant 64 : i32
      %div3A_828 = vector.broadcast %jit3A_827 : i32 to vector<16xi32>
      %div3A_829 = arith.divsi %add3A_826, %div3A_828 : vector<16xi32>
      %sign3A_830 = arith.constant 0 : i32
      %sign3A_831 = vector.broadcast %sign3A_830 : i32 to vector<16xi32>
      %sign3A_832 = arith.cmpi sgt, %add3A_826, %sign3A_831 : vector<16xi32>
      %sign3A_833 = arith.extui %sign3A_832 : vector<16xi1> to vector<16xi32>
      %sign3A_834 = arith.constant 0 : i32
      %sign3A_835 = vector.broadcast %sign3A_834 : i32 to vector<16xi32>
      %sign3A_836 = arith.cmpi slt, %add3A_826, %sign3A_835 : vector<16xi32>
      %sign3A_837 = arith.extui %sign3A_836 : vector<16xi1> to vector<16xi32>
      %sign3A_838 = arith.subi %sign3A_833, %sign3A_837 : vector<16xi32>
      %sign3A_839 = arith.constant 0 : i32
      %sign3A_840 = arith.cmpi sgt, %jit3A_827, %sign3A_839 : i32
      %sign3A_841 = arith.extui %sign3A_840 : i1 to i32
      %sign3A_842 = arith.constant 0 : i32
      %sign3A_843 = arith.cmpi slt, %jit3A_827, %sign3A_842 : i32
      %sign3A_844 = arith.extui %sign3A_843 : i1 to i32
      %sign3A_845 = arith.subi %sign3A_841, %sign3A_844 : i32
      %ne3A_846 = vector.broadcast %sign3A_845 : i32 to vector<16xi32>
      %ne3A_847 = arith.cmpi ne, %sign3A_838, %ne3A_846 : vector<16xi32>
      %rem3A_848 = vector.broadcast %jit3A_827 : i32 to vector<16xi32>
      %rem3A_849 = arith.remsi %add3A_826, %rem3A_848 : vector<16xi32>
      %ne3A_850 = arith.constant 0 : i32
      %ne3A_851 = vector.broadcast %ne3A_850 : i32 to vector<16xi32>
      %ne3A_852 = arith.cmpi ne, %rem3A_849, %ne3A_851 : vector<16xi32>
      %and3A_853 = arith.andi %ne3A_847, %ne3A_852 : vector<16xi1>
      %sub3A_854 = arith.constant 1 : i32
      %sub3A_855 = vector.broadcast %sub3A_854 : i32 to vector<16xi32>
      %sub3A_856 = arith.subi %div3A_829, %sub3A_855 : vector<16xi32>
      %select_n3A_857 = arith.select %and3A_853, %sub3A_856, %div3A_829 : vector<16xi1>, vector<16xi32>
      %mul3A_858 = arith.constant 129 : i32
      %mul3A_859 = vector.broadcast %mul3A_858 : i32 to vector<16xi32>
      %mul3A_860 = arith.muli %select_n3A_857, %mul3A_859 : vector<16xi32>
      %add3A_861 = arith.constant 64 : i32
      %add3A_862 = vector.broadcast %add3A_861 : i32 to vector<16xi32>
      %add3A_863 = arith.addi %iota3A, %add3A_862 : vector<16xi32>
      %jit3A_864 = arith.constant 64 : i32
      %eq3A_865 = arith.constant 0 : i32
      %eq3A_866 = arith.cmpi eq, %jit3A_864, %eq3A_865 : i32
      %jit3A_867 = arith.constant 1 : i32
      %select_n3A_868 = arith.select %eq3A_866, %jit3A_867, %jit3A_864 : i32
      %rem3A_869 = vector.broadcast %select_n3A_868 : i32 to vector<16xi32>
      %rem3A_870 = arith.remsi %add3A_863, %rem3A_869 : vector<16xi32>
      %ne3A_871 = arith.constant 0 : i32
      %ne3A_872 = vector.broadcast %ne3A_871 : i32 to vector<16xi32>
      %ne3A_873 = arith.cmpi ne, %rem3A_870, %ne3A_872 : vector<16xi32>
      %lt3A_874 = arith.constant 0 : i32
      %lt3A_875 = vector.broadcast %lt3A_874 : i32 to vector<16xi32>
      %lt3A_876 = arith.cmpi slt, %rem3A_870, %lt3A_875 : vector<16xi32>
      %lt3A_877 = arith.constant 0 : i32
      %lt3A_878 = arith.cmpi slt, %select_n3A_868, %lt3A_877 : i32
      %ne3A_879 = vector.broadcast %lt3A_878 : i1 to vector<16xi1>
      %ne3A_880 = vector.broadcast %ne3A_879 : vector<16xi1> to vector<16xi1>
      %ne3A_881 = arith.xori %lt3A_876, %ne3A_880 : vector<16xi1>
      %and3A_882 = arith.andi %ne3A_881, %ne3A_873 : vector<16xi1>
      %add3A_883 = vector.broadcast %select_n3A_868 : i32 to vector<16xi32>
      %add3A_884 = arith.addi %rem3A_870, %add3A_883 : vector<16xi32>
      %select_n3A_885 = arith.select %and3A_882, %add3A_884, %rem3A_870 : vector<16xi1>, vector<16xi32>
      %add3A_886 = arith.addi %mul3A_860, %select_n3A_885 : vector<16xi32>
      %add3A_887 = arith.constant 80 : i32
      %add3A_888 = vector.broadcast %add3A_887 : i32 to vector<16xi32>
      %add3A_889 = arith.addi %iota3A, %add3A_888 : vector<16xi32>
      %jit3A_890 = arith.constant 64 : i32
      %div3A_891 = vector.broadcast %jit3A_890 : i32 to vector<16xi32>
      %div3A_892 = arith.divsi %add3A_889, %div3A_891 : vector<16xi32>
      %sign3A_893 = arith.constant 0 : i32
      %sign3A_894 = vector.broadcast %sign3A_893 : i32 to vector<16xi32>
      %sign3A_895 = arith.cmpi sgt, %add3A_889, %sign3A_894 : vector<16xi32>
      %sign3A_896 = arith.extui %sign3A_895 : vector<16xi1> to vector<16xi32>
      %sign3A_897 = arith.constant 0 : i32
      %sign3A_898 = vector.broadcast %sign3A_897 : i32 to vector<16xi32>
      %sign3A_899 = arith.cmpi slt, %add3A_889, %sign3A_898 : vector<16xi32>
      %sign3A_900 = arith.extui %sign3A_899 : vector<16xi1> to vector<16xi32>
      %sign3A_901 = arith.subi %sign3A_896, %sign3A_900 : vector<16xi32>
      %sign3A_902 = arith.constant 0 : i32
      %sign3A_903 = arith.cmpi sgt, %jit3A_890, %sign3A_902 : i32
      %sign3A_904 = arith.extui %sign3A_903 : i1 to i32
      %sign3A_905 = arith.constant 0 : i32
      %sign3A_906 = arith.cmpi slt, %jit3A_890, %sign3A_905 : i32
      %sign3A_907 = arith.extui %sign3A_906 : i1 to i32
      %sign3A_908 = arith.subi %sign3A_904, %sign3A_907 : i32
      %ne3A_909 = vector.broadcast %sign3A_908 : i32 to vector<16xi32>
      %ne3A_910 = arith.cmpi ne, %sign3A_901, %ne3A_909 : vector<16xi32>
      %rem3A_911 = vector.broadcast %jit3A_890 : i32 to vector<16xi32>
      %rem3A_912 = arith.remsi %add3A_889, %rem3A_911 : vector<16xi32>
      %ne3A_913 = arith.constant 0 : i32
      %ne3A_914 = vector.broadcast %ne3A_913 : i32 to vector<16xi32>
      %ne3A_915 = arith.cmpi ne, %rem3A_912, %ne3A_914 : vector<16xi32>
      %and3A_916 = arith.andi %ne3A_910, %ne3A_915 : vector<16xi1>
      %sub3A_917 = arith.constant 1 : i32
      %sub3A_918 = vector.broadcast %sub3A_917 : i32 to vector<16xi32>
      %sub3A_919 = arith.subi %div3A_892, %sub3A_918 : vector<16xi32>
      %select_n3A_920 = arith.select %and3A_916, %sub3A_919, %div3A_892 : vector<16xi1>, vector<16xi32>
      %mul3A_921 = arith.constant 129 : i32
      %mul3A_922 = vector.broadcast %mul3A_921 : i32 to vector<16xi32>
      %mul3A_923 = arith.muli %select_n3A_920, %mul3A_922 : vector<16xi32>
      %add3A_924 = arith.constant 80 : i32
      %add3A_925 = vector.broadcast %add3A_924 : i32 to vector<16xi32>
      %add3A_926 = arith.addi %iota3A, %add3A_925 : vector<16xi32>
      %jit3A_927 = arith.constant 64 : i32
      %eq3A_928 = arith.constant 0 : i32
      %eq3A_929 = arith.cmpi eq, %jit3A_927, %eq3A_928 : i32
      %jit3A_930 = arith.constant 1 : i32
      %select_n3A_931 = arith.select %eq3A_929, %jit3A_930, %jit3A_927 : i32
      %rem3A_932 = vector.broadcast %select_n3A_931 : i32 to vector<16xi32>
      %rem3A_933 = arith.remsi %add3A_926, %rem3A_932 : vector<16xi32>
      %ne3A_934 = arith.constant 0 : i32
      %ne3A_935 = vector.broadcast %ne3A_934 : i32 to vector<16xi32>
      %ne3A_936 = arith.cmpi ne, %rem3A_933, %ne3A_935 : vector<16xi32>
      %lt3A_937 = arith.constant 0 : i32
      %lt3A_938 = vector.broadcast %lt3A_937 : i32 to vector<16xi32>
      %lt3A_939 = arith.cmpi slt, %rem3A_933, %lt3A_938 : vector<16xi32>
      %lt3A_940 = arith.constant 0 : i32
      %lt3A_941 = arith.cmpi slt, %select_n3A_931, %lt3A_940 : i32
      %ne3A_942 = vector.broadcast %lt3A_941 : i1 to vector<16xi1>
      %ne3A_943 = vector.broadcast %ne3A_942 : vector<16xi1> to vector<16xi1>
      %ne3A_944 = arith.xori %lt3A_939, %ne3A_943 : vector<16xi1>
      %and3A_945 = arith.andi %ne3A_944, %ne3A_936 : vector<16xi1>
      %add3A_946 = vector.broadcast %select_n3A_931 : i32 to vector<16xi32>
      %add3A_947 = arith.addi %rem3A_933, %add3A_946 : vector<16xi32>
      %select_n3A_948 = arith.select %and3A_945, %add3A_947, %rem3A_933 : vector<16xi1>, vector<16xi32>
      %add3A_949 = arith.addi %mul3A_923, %select_n3A_948 : vector<16xi32>
      %add3A_950 = arith.constant 96 : i32
      %add3A_951 = vector.broadcast %add3A_950 : i32 to vector<16xi32>
      %add3A_952 = arith.addi %iota3A, %add3A_951 : vector<16xi32>
      %jit3A_953 = arith.constant 64 : i32
      %div3A_954 = vector.broadcast %jit3A_953 : i32 to vector<16xi32>
      %div3A_955 = arith.divsi %add3A_952, %div3A_954 : vector<16xi32>
      %sign3A_956 = arith.constant 0 : i32
      %sign3A_957 = vector.broadcast %sign3A_956 : i32 to vector<16xi32>
      %sign3A_958 = arith.cmpi sgt, %add3A_952, %sign3A_957 : vector<16xi32>
      %sign3A_959 = arith.extui %sign3A_958 : vector<16xi1> to vector<16xi32>
      %sign3A_960 = arith.constant 0 : i32
      %sign3A_961 = vector.broadcast %sign3A_960 : i32 to vector<16xi32>
      %sign3A_962 = arith.cmpi slt, %add3A_952, %sign3A_961 : vector<16xi32>
      %sign3A_963 = arith.extui %sign3A_962 : vector<16xi1> to vector<16xi32>
      %sign3A_964 = arith.subi %sign3A_959, %sign3A_963 : vector<16xi32>
      %sign3A_965 = arith.constant 0 : i32
      %sign3A_966 = arith.cmpi sgt, %jit3A_953, %sign3A_965 : i32
      %sign3A_967 = arith.extui %sign3A_966 : i1 to i32
      %sign3A_968 = arith.constant 0 : i32
      %sign3A_969 = arith.cmpi slt, %jit3A_953, %sign3A_968 : i32
      %sign3A_970 = arith.extui %sign3A_969 : i1 to i32
      %sign3A_971 = arith.subi %sign3A_967, %sign3A_970 : i32
      %ne3A_972 = vector.broadcast %sign3A_971 : i32 to vector<16xi32>
      %ne3A_973 = arith.cmpi ne, %sign3A_964, %ne3A_972 : vector<16xi32>
      %rem3A_974 = vector.broadcast %jit3A_953 : i32 to vector<16xi32>
      %rem3A_975 = arith.remsi %add3A_952, %rem3A_974 : vector<16xi32>
      %ne3A_976 = arith.constant 0 : i32
      %ne3A_977 = vector.broadcast %ne3A_976 : i32 to vector<16xi32>
      %ne3A_978 = arith.cmpi ne, %rem3A_975, %ne3A_977 : vector<16xi32>
      %and3A_979 = arith.andi %ne3A_973, %ne3A_978 : vector<16xi1>
      %sub3A_980 = arith.constant 1 : i32
      %sub3A_981 = vector.broadcast %sub3A_980 : i32 to vector<16xi32>
      %sub3A_982 = arith.subi %div3A_955, %sub3A_981 : vector<16xi32>
      %select_n3A_983 = arith.select %and3A_979, %sub3A_982, %div3A_955 : vector<16xi1>, vector<16xi32>
      %mul3A_984 = arith.constant 129 : i32
      %mul3A_985 = vector.broadcast %mul3A_984 : i32 to vector<16xi32>
      %mul3A_986 = arith.muli %select_n3A_983, %mul3A_985 : vector<16xi32>
      %add3A_987 = arith.constant 96 : i32
      %add3A_988 = vector.broadcast %add3A_987 : i32 to vector<16xi32>
      %add3A_989 = arith.addi %iota3A, %add3A_988 : vector<16xi32>
      %jit3A_990 = arith.constant 64 : i32
      %eq3A_991 = arith.constant 0 : i32
      %eq3A_992 = arith.cmpi eq, %jit3A_990, %eq3A_991 : i32
      %jit3A_993 = arith.constant 1 : i32
      %select_n3A_994 = arith.select %eq3A_992, %jit3A_993, %jit3A_990 : i32
      %rem3A_995 = vector.broadcast %select_n3A_994 : i32 to vector<16xi32>
      %rem3A_996 = arith.remsi %add3A_989, %rem3A_995 : vector<16xi32>
      %ne3A_997 = arith.constant 0 : i32
      %ne3A_998 = vector.broadcast %ne3A_997 : i32 to vector<16xi32>
      %ne3A_999 = arith.cmpi ne, %rem3A_996, %ne3A_998 : vector<16xi32>
      %lt3A_1000 = arith.constant 0 : i32
      %lt3A_1001 = vector.broadcast %lt3A_1000 : i32 to vector<16xi32>
      %lt3A_1002 = arith.cmpi slt, %rem3A_996, %lt3A_1001 : vector<16xi32>
      %lt3A_1003 = arith.constant 0 : i32
      %lt3A_1004 = arith.cmpi slt, %select_n3A_994, %lt3A_1003 : i32
      %ne3A_1005 = vector.broadcast %lt3A_1004 : i1 to vector<16xi1>
      %ne3A_1006 = vector.broadcast %ne3A_1005 : vector<16xi1> to vector<16xi1>
      %ne3A_1007 = arith.xori %lt3A_1002, %ne3A_1006 : vector<16xi1>
      %and3A_1008 = arith.andi %ne3A_1007, %ne3A_999 : vector<16xi1>
      %add3A_1009 = vector.broadcast %select_n3A_994 : i32 to vector<16xi32>
      %add3A_1010 = arith.addi %rem3A_996, %add3A_1009 : vector<16xi32>
      %select_n3A_1011 = arith.select %and3A_1008, %add3A_1010, %rem3A_996 : vector<16xi1>, vector<16xi32>
      %add3A_1012 = arith.addi %mul3A_986, %select_n3A_1011 : vector<16xi32>
      %add3A_1013 = arith.constant 112 : i32
      %add3A_1014 = vector.broadcast %add3A_1013 : i32 to vector<16xi32>
      %add3A_1015 = arith.addi %iota3A, %add3A_1014 : vector<16xi32>
      %jit3A_1016 = arith.constant 64 : i32
      %div3A_1017 = vector.broadcast %jit3A_1016 : i32 to vector<16xi32>
      %div3A_1018 = arith.divsi %add3A_1015, %div3A_1017 : vector<16xi32>
      %sign3A_1019 = arith.constant 0 : i32
      %sign3A_1020 = vector.broadcast %sign3A_1019 : i32 to vector<16xi32>
      %sign3A_1021 = arith.cmpi sgt, %add3A_1015, %sign3A_1020 : vector<16xi32>
      %sign3A_1022 = arith.extui %sign3A_1021 : vector<16xi1> to vector<16xi32>
      %sign3A_1023 = arith.constant 0 : i32
      %sign3A_1024 = vector.broadcast %sign3A_1023 : i32 to vector<16xi32>
      %sign3A_1025 = arith.cmpi slt, %add3A_1015, %sign3A_1024 : vector<16xi32>
      %sign3A_1026 = arith.extui %sign3A_1025 : vector<16xi1> to vector<16xi32>
      %sign3A_1027 = arith.subi %sign3A_1022, %sign3A_1026 : vector<16xi32>
      %sign3A_1028 = arith.constant 0 : i32
      %sign3A_1029 = arith.cmpi sgt, %jit3A_1016, %sign3A_1028 : i32
      %sign3A_1030 = arith.extui %sign3A_1029 : i1 to i32
      %sign3A_1031 = arith.constant 0 : i32
      %sign3A_1032 = arith.cmpi slt, %jit3A_1016, %sign3A_1031 : i32
      %sign3A_1033 = arith.extui %sign3A_1032 : i1 to i32
      %sign3A_1034 = arith.subi %sign3A_1030, %sign3A_1033 : i32
      %ne3A_1035 = vector.broadcast %sign3A_1034 : i32 to vector<16xi32>
      %ne3A_1036 = arith.cmpi ne, %sign3A_1027, %ne3A_1035 : vector<16xi32>
      %rem3A_1037 = vector.broadcast %jit3A_1016 : i32 to vector<16xi32>
      %rem3A_1038 = arith.remsi %add3A_1015, %rem3A_1037 : vector<16xi32>
      %ne3A_1039 = arith.constant 0 : i32
      %ne3A_1040 = vector.broadcast %ne3A_1039 : i32 to vector<16xi32>
      %ne3A_1041 = arith.cmpi ne, %rem3A_1038, %ne3A_1040 : vector<16xi32>
      %and3A_1042 = arith.andi %ne3A_1036, %ne3A_1041 : vector<16xi1>
      %sub3A_1043 = arith.constant 1 : i32
      %sub3A_1044 = vector.broadcast %sub3A_1043 : i32 to vector<16xi32>
      %sub3A_1045 = arith.subi %div3A_1018, %sub3A_1044 : vector<16xi32>
      %select_n3A_1046 = arith.select %and3A_1042, %sub3A_1045, %div3A_1018 : vector<16xi1>, vector<16xi32>
      %mul3A_1047 = arith.constant 129 : i32
      %mul3A_1048 = vector.broadcast %mul3A_1047 : i32 to vector<16xi32>
      %mul3A_1049 = arith.muli %select_n3A_1046, %mul3A_1048 : vector<16xi32>
      %add3A_1050 = arith.constant 112 : i32
      %add3A_1051 = vector.broadcast %add3A_1050 : i32 to vector<16xi32>
      %add3A_1052 = arith.addi %iota3A, %add3A_1051 : vector<16xi32>
      %jit3A_1053 = arith.constant 64 : i32
      %eq3A_1054 = arith.constant 0 : i32
      %eq3A_1055 = arith.cmpi eq, %jit3A_1053, %eq3A_1054 : i32
      %jit3A_1056 = arith.constant 1 : i32
      %select_n3A_1057 = arith.select %eq3A_1055, %jit3A_1056, %jit3A_1053 : i32
      %rem3A_1058 = vector.broadcast %select_n3A_1057 : i32 to vector<16xi32>
      %rem3A_1059 = arith.remsi %add3A_1052, %rem3A_1058 : vector<16xi32>
      %ne3A_1060 = arith.constant 0 : i32
      %ne3A_1061 = vector.broadcast %ne3A_1060 : i32 to vector<16xi32>
      %ne3A_1062 = arith.cmpi ne, %rem3A_1059, %ne3A_1061 : vector<16xi32>
      %lt3A_1063 = arith.constant 0 : i32
      %lt3A_1064 = vector.broadcast %lt3A_1063 : i32 to vector<16xi32>
      %lt3A_1065 = arith.cmpi slt, %rem3A_1059, %lt3A_1064 : vector<16xi32>
      %lt3A_1066 = arith.constant 0 : i32
      %lt3A_1067 = arith.cmpi slt, %select_n3A_1057, %lt3A_1066 : i32
      %ne3A_1068 = vector.broadcast %lt3A_1067 : i1 to vector<16xi1>
      %ne3A_1069 = vector.broadcast %ne3A_1068 : vector<16xi1> to vector<16xi1>
      %ne3A_1070 = arith.xori %lt3A_1065, %ne3A_1069 : vector<16xi1>
      %and3A_1071 = arith.andi %ne3A_1070, %ne3A_1062 : vector<16xi1>
      %add3A_1072 = vector.broadcast %select_n3A_1057 : i32 to vector<16xi32>
      %add3A_1073 = arith.addi %rem3A_1059, %add3A_1072 : vector<16xi32>
      %select_n3A_1074 = arith.select %and3A_1071, %add3A_1073, %rem3A_1059 : vector<16xi1>, vector<16xi32>
      %add3A_1075 = arith.addi %mul3A_1049, %select_n3A_1074 : vector<16xi32>
      %scan3A_1076 = arith.constant 0 : i32
      %scan3A_1077 = arith.constant 0 : i32
      %scan3A_1078 = arith.constant 32 : i32
      %scan3A_1079 = arith.addi %scan3A_1077, %scan3A_1078 : i32
      %scan3A_1080 = arith.constant 1 : i32
      scf.for %scan3A_1082 = %scan3A_1077 to %scan3A_1079 step %scan3A_1080  : i32 {
        %mul3A_1083 = arith.constant 2 : i32
        %mul3A_1084 = arith.muli %mul3A_1083, %scan3A_1082 : i32
        %mul3A_1085 = arith.constant 129 : i32
        %mul3A_1086 = arith.muli %mul3A_1084, %mul3A_1085 : i32
        %add3A_1087 = vector.broadcast %mul3A_1086 : i32 to vector<16xi32>
        %add3A_1088 = arith.addi %add3A_634, %add3A_1087 : vector<16xi32>
        %gather3A = tpu.vector_load_idx %arg7[%add3A_1088] : memref<8256xf32, #tpu.memory_space<vmem>>[vector<16xi32>], vector<16xf32>,
        %mul3A_1089 = arith.constant 2 : i32
        %mul3A_1090 = arith.muli %mul3A_1089, %scan3A_1082 : i32
        %mul3A_1091 = arith.constant 129 : i32
        %mul3A_1092 = arith.muli %mul3A_1090, %mul3A_1091 : i32
        %add3A_1093 = vector.broadcast %mul3A_1092 : i32 to vector<16xi32>
        %add3A_1094 = arith.addi %add3A_697, %add3A_1093 : vector<16xi32>
        %gather3A_1095 = tpu.vector_load_idx %arg7[%add3A_1094] : memref<8256xf32, #tpu.memory_space<vmem>>[vector<16xi32>], vector<16xf32>,
        %mul3A_1096 = arith.constant 2 : i32
        %mul3A_1097 = arith.muli %mul3A_1096, %scan3A_1082 : i32
        %mul3A_1098 = arith.constant 129 : i32
        %mul3A_1099 = arith.muli %mul3A_1097, %mul3A_1098 : i32
        %add3A_1100 = vector.broadcast %mul3A_1099 : i32 to vector<16xi32>
        %add3A_1101 = arith.addi %add3A_760, %add3A_1100 : vector<16xi32>
        %gather3A_1102 = tpu.vector_load_idx %arg7[%add3A_1101] : memref<8256xf32, #tpu.memory_space<vmem>>[vector<16xi32>], vector<16xf32>,
        %mul3A_1103 = arith.constant 2 : i32
        %mul3A_1104 = arith.muli %mul3A_1103, %scan3A_1082 : i32
        %mul3A_1105 = arith.constant 129 : i32
        %mul3A_1106 = arith.muli %mul3A_1104, %mul3A_1105 : i32
        %add3A_1107 = vector.broadcast %mul3A_1106 : i32 to vector<16xi32>
        %add3A_1108 = arith.addi %add3A_823, %add3A_1107 : vector<16xi32>
        %gather3A_1109 = tpu.vector_load_idx %arg7[%add3A_1108] : memref<8256xf32, #tpu.memory_space<vmem>>[vector<16xi32>], vector<16xf32>,
        %mul3A_1110 = arith.constant 2 : i32
        %mul3A_1111 = arith.muli %mul3A_1110, %scan3A_1082 : i32
        %mul3A_1112 = arith.constant 129 : i32
        %mul3A_1113 = arith.muli %mul3A_1111, %mul3A_1112 : i32
        %add3A_1114 = vector.broadcast %mul3A_1113 : i32 to vector<16xi32>
        %add3A_1115 = arith.addi %add3A_886, %add3A_1114 : vector<16xi32>
        %gather3A_1116 = tpu.vector_load_idx %arg7[%add3A_1115] : memref<8256xf32, #tpu.memory_space<vmem>>[vector<16xi32>], vector<16xf32>,
        %mul3A_1117 = arith.constant 2 : i32
        %mul3A_1118 = arith.muli %mul3A_1117, %scan3A_1082 : i32
        %mul3A_1119 = arith.constant 129 : i32
        %mul3A_1120 = arith.muli %mul3A_1118, %mul3A_1119 : i32
        %add3A_1121 = vector.broadcast %mul3A_1120 : i32 to vector<16xi32>
        %add3A_1122 = arith.addi %add3A_949, %add3A_1121 : vector<16xi32>
        %gather3A_1123 = tpu.vector_load_idx %arg7[%add3A_1122] : memref<8256xf32, #tpu.memory_space<vmem>>[vector<16xi32>], vector<16xf32>,
        %mul3A_1124 = arith.constant 2 : i32
        %mul3A_1125 = arith.muli %mul3A_1124, %scan3A_1082 : i32
        %mul3A_1126 = arith.constant 129 : i32
        %mul3A_1127 = arith.muli %mul3A_1125, %mul3A_1126 : i32
        %add3A_1128 = vector.broadcast %mul3A_1127 : i32 to vector<16xi32>
        %add3A_1129 = arith.addi %add3A_1012, %add3A_1128 : vector<16xi32>
        %gather3A_1130 = tpu.vector_load_idx %arg7[%add3A_1129] : memref<8256xf32, #tpu.memory_space<vmem>>[vector<16xi32>], vector<16xf32>,
        %mul3A_1131 = arith.constant 2 : i32
        %mul3A_1132 = arith.muli %mul3A_1131, %scan3A_1082 : i32
        %mul3A_1133 = arith.constant 129 : i32
        %mul3A_1134 = arith.muli %mul3A_1132, %mul3A_1133 : i32
        %add3A_1135 = vector.broadcast %mul3A_1134 : i32 to vector<16xi32>
        %add3A_1136 = arith.addi %add3A_1075, %add3A_1135 : vector<16xi32>
        %gather3A_1137 = tpu.vector_load_idx %arg7[%add3A_1136] : memref<8256xf32, #tpu.memory_space<vmem>>[vector<16xi32>], vector<16xf32>,
        %swap3A = arith.index_cast %scan3A_1082 : i32 to index
        %swap3A_1138 = arith.constant 0 : index
        %swap3A_1139 = tpu.vector_load %arg8[%swap3A, %swap3A_1138] {strides = array<i32>} : memref<64x128xf32, #tpu.memory_space<vmem>>, vector<16xf32>,
        tpu.vector_store %arg8[%swap3A, %swap3A_1138], %gather3A {strides = array<i32>} : memref<64x128xf32, #tpu.memory_space<vmem>>, vector<16xf32>,
        %swap3A_1140 = arith.index_cast %scan3A_1082 : i32 to index
        %swap3A_1141 = arith.constant 16 : index
        %swap3A_1142 = tpu.vector_load %arg8[%swap3A_1140, %swap3A_1141] {strides = array<i32>} : memref<64x128xf32, #tpu.memory_space<vmem>>, vector<16xf32>,
        tpu.vector_store %arg8[%swap3A_1140, %swap3A_1141], %gather3A_1095 {strides = array<i32>} : memref<64x128xf32, #tpu.memory_space<vmem>>, vector<16xf32>,
        %swap3A_1143 = arith.index_cast %scan3A_1082 : i32 to index
        %swap3A_1144 = arith.constant 32 : index
        %swap3A_1145 = tpu.vector_load %arg8[%swap3A_1143, %swap3A_1144] {strides = array<i32>} : memref<64x128xf32, #tpu.memory_space<vmem>>, vector<16xf32>,
        tpu.vector_store %arg8[%swap3A_1143, %swap3A_1144], %gather3A_1102 {strides = array<i32>} : memref<64x128xf32, #tpu.memory_space<vmem>>, vector<16xf32>,
        %swap3A_1146 = arith.index_cast %scan3A_1082 : i32 to index
        %swap3A_1147 = arith.constant 48 : index
        %swap3A_1148 = tpu.vector_load %arg8[%swap3A_1146, %swap3A_1147] {strides = array<i32>} : memref<64x128xf32, #tpu.memory_space<vmem>>, vector<16xf32>,
        tpu.vector_store %arg8[%swap3A_1146, %swap3A_1147], %gather3A_1109 {strides = array<i32>} : memref<64x128xf32, #tpu.memory_space<vmem>>, vector<16xf32>,
        %swap3A_1149 = arith.index_cast %scan3A_1082 : i32 to index
        %swap3A_1150 = arith.constant 64 : index
        %swap3A_1151 = tpu.vector_load %arg8[%swap3A_1149, %swap3A_1150] {strides = array<i32>} : memref<64x128xf32, #tpu.memory_space<vmem>>, vector<16xf32>,
        tpu.vector_store %arg8[%swap3A_1149, %swap3A_1150], %gather3A_1116 {strides = array<i32>} : memref<64x128xf32, #tpu.memory_space<vmem>>, vector<16xf32>,
        %swap3A_1152 = arith.index_cast %scan3A_1082 : i32 to index
        %swap3A_1153 = arith.constant 80 : index
        %swap3A_1154 = tpu.vector_load %arg8[%swap3A_1152, %swap3A_1153] {strides = array<i32>} : memref<64x128xf32, #tpu.memory_space<vmem>>, vector<16xf32>,
        tpu.vector_store %arg8[%swap3A_1152, %swap3A_1153], %gather3A_1123 {strides = array<i32>} : memref<64x128xf32, #tpu.memory_space<vmem>>, vector<16xf32>,
        %swap3A_1155 = arith.index_cast %scan3A_1082 : i32 to index
        %swap3A_1156 = arith.constant 96 : index
        %swap3A_1157 = tpu.vector_load %arg8[%swap3A_1155, %swap3A_1156] {strides = array<i32>} : memref<64x128xf32, #tpu.memory_space<vmem>>, vector<16xf32>,
        tpu.vector_store %arg8[%swap3A_1155, %swap3A_1156], %gather3A_1130 {strides = array<i32>} : memref<64x128xf32, #tpu.memory_space<vmem>>, vector<16xf32>,
        %swap3A_1158 = arith.index_cast %scan3A_1082 : i32 to index
        %swap3A_1159 = arith.constant 112 : index
        %swap3A_1160 = tpu.vector_load %arg8[%swap3A_1158, %swap3A_1159] {strides = array<i32>} : memref<64x128xf32, #tpu.memory_space<vmem>>, vector<16xf32>,
        tpu.vector_store %arg8[%swap3A_1158, %swap3A_1159], %gather3A_1137 {strides = array<i32>} : memref<64x128xf32, #tpu.memory_space<vmem>>, vector<16xf32>,
      }
      %scan3A_1081 = arith.constant 32 : i32
      "tpu.region"() ({
        %run_scoped3A = tpu.sem_alloc : memref<!tpu.dma_semaphore, #tpu.memory_space<semaphore_mem>>
        %dma_start3A_1082 = arith.constant 0 : i32
        %dma_start3A_1083 = arith.constant 0 : i32
        %dma_start3A_1084 = tpu.memref_slice %arg8[%dma_start3A_1082, %dma_start3A_1083] : memref<64x128xf32, #tpu.memory_space<vmem>> -> memref<32x128xf32, #tpu.memory_space<vmem>>
        %dma_start3A_1085 = arith.constant 499968 : i32
        %dma_start3A_1086 = arith.constant 0 : i32
        %dma_start3A_1087 = tpu.memref_slice %arg4[%dma_start3A_1085, %dma_start3A_1086] : memref<500000x128xf32, #tpu.memory_space<hbm>> -> memref<32x128xf32, #tpu.memory_space<hbm>>
        %dma_start3A_1088 = arith.constant 499968 : i32
        %dma_start3A_1089 = arith.constant 0 : i32
        %dma_start3A_1090 = tpu.memref_slice %arg4[%dma_start3A_1088, %dma_start3A_1089] : memref<500000x128xf32, #tpu.memory_space<hbm>> -> memref<32x128xf32, #tpu.memory_space<hbm>>
        %dma_start3A_1091 = arith.constant 0 : i32
        %dma_start3A_1092 = arith.constant 0 : i32
        %dma_start3A_1093 = tpu.memref_slice %arg8[%dma_start3A_1091, %dma_start3A_1092] : memref<64x128xf32, #tpu.memory_space<vmem>> -> memref<32x128xf32, #tpu.memory_space<vmem>>
        tpu.enqueue_dma source(%dma_start3A_1093 : memref<32x128xf32, #tpu.memory_space<vmem>>) target(%dma_start3A_1090 : memref<32x128xf32, #tpu.memory_space<hbm>>) target_semaphore(%run_scoped3A : memref<!tpu.dma_semaphore, #tpu.memory_space<semaphore_mem>>)
        %dma_wait3A_1094 = arith.constant 0 : i32
        %dma_wait3A_1095 = arith.constant 0 : i32
        %dma_wait3A_1096 = tpu.memref_slice %arg8[%dma_wait3A_1094, %dma_wait3A_1095] : memref<64x128xf32, #tpu.memory_space<vmem>> -> memref<32x128xf32, #tpu.memory_space<vmem>>
        %dma_wait3A_1097 = arith.constant 499968 : i32
        %dma_wait3A_1098 = arith.constant 0 : i32
        %dma_wait3A_1099 = tpu.memref_slice %arg4[%dma_wait3A_1097, %dma_wait3A_1098] : memref<500000x128xf32, #tpu.memory_space<hbm>> -> memref<32x128xf32, #tpu.memory_space<hbm>>
        %dma_wait3A_1100 = arith.constant 499968 : i32
        %dma_wait3A_1101 = arith.constant 0 : i32
        %dma_wait3A_1102 = tpu.memref_slice %arg4[%dma_wait3A_1100, %dma_wait3A_1101] : memref<500000x128xf32, #tpu.memory_space<hbm>> -> memref<32x128xf32, #tpu.memory_space<hbm>>
        %dma_wait3A_1103 = arith.constant 0 : i32
        %dma_wait3A_1104 = arith.constant 0 : i32
        %dma_wait3A_1105 = tpu.memref_slice %arg8[%dma_wait3A_1103, %dma_wait3A_1104] : memref<64x128xf32, #tpu.memory_space<vmem>> -> memref<32x128xf32, #tpu.memory_space<vmem>>
        tpu.wait_dma2 semaphore(%run_scoped3A : memref<!tpu.dma_semaphore, #tpu.memory_space<semaphore_mem>>) src(%dma_wait3A_1105 : memref<32x128xf32, #tpu.memory_space<vmem>>) dst(%dma_wait3A_1102 : memref<32x128xf32, #tpu.memory_space<hbm>>)
        tpu.yield
      }) : () -> ()
    } else {
    }
    return
  }
}

</mosaic_0001>

<sc_bundles>
// kernel: _transpose_table.3.cloned.1.call-start
scs
__scs_entry_jumppad:
0x0: {  	(pc) =	sbr.rel $0x88, $3  }
0x1: {  	(tag) =	ssettag $0x0;
	lr =	simm.s32 $0x1  }
0x2: {  	[smem:$0x3F9F] =	sst lr;
	_ =	strace $0xD0000000  }
0x3: {  	_ = 	snop  }
0x4: {  	_ = 	snop  }
0x5: {  	_ = 	snop  }
0x6: {  	_ = 	snop  }
0x7: {  	_ = 	snop  }
__scs_overlays_trampoline_lowered:
0x8: {  	[smem:$0x3FAE] =	sst s0  }
0x9: {  	[smem:$0x3FAF] =	sst s1  }
0xa: {  	[smem:$0x3FB0] =	sst s2  }
0xb: {  	[smem:$0x3FB1] =	sst s3  }
0xc: {  	[smem:$0x3FB2] =	sst s4  }
0xd: {  	[smem:$0x3FB3] =	sst s5  }
0xe: {  	[smem:$0x3FB4] =	sst s6  }
0xf: {  	[smem:$0x3FB5] =	sst s7  }
0x10: {  	[smem:$0x3FB6] =	sst s8  }
0x11: {  	[smem:$0x3FB7] =	sst s9;
	s0 =	simm.s32 @!p0 $0x0  }
0x12: {  	s1 =	sld [smem:$0x3F9D];
	s0 =	simm.s32 @p0 $0x1  }
0x13: {  	[smem:$0x3FB8] =	sst s0;
	s0 =	simm.s32 @!p1 $0x0  }
0x14: {  	s2 =	sld [smem:$0x3F9C];
	s0 =	simm.s32 @p1 $0x1  }
0x15: {  	[smem:$0x3FB9] =	sst s0;
	s0 =	simm.s32 @!p2 $0x0  }
0x16: {  	s3 =	sld [smem:$0x3FDB];
	s0 =	simm.s32 @p2 $0x1  }
0x17: {  	s4 =	simm.s32 $0x1BF5;
	[smem:$0x3FBB] =	sst s0  }
0x18: {  	s0 =	sld [smem:$0x3F9E];
	_ =	swait.ge [sflag:s4], $0x0  }
0x19: {  	s7 =	sld [smem:$0x3F9F]  }
0x1a: {  	s8 =	sadd.s32 $0xFFFFE003, lr  }
0x1b: {  	s9 =	sadd.s32 $0xFFFFFEF7, lr;
	s5 =	simm.s32 $0xFFFFFFFF;
	p2 =	slt.u32 s8, $0xFFFFF086  }
0x1c: {  	p1 =	slt.u32 s9, $0xF7A;
	s5 =	simm.s32 @!p2 $0x0  }
0x1d: {  	s5 =	simm.s32 @p1 $0x1;
	p0 =	seq.s32 s7, s2  }
0x1e: {  	s7 =	smul.u32 @!p0 $0xF7A, s2;
	p2 =	seq.s32 @!p0 s5, $0x0  }
0x1f: {  	s9 =	smul.u32 $0xF7A, s1;
	s8 =	simm.s32 @!p0 $0x1BF5;
	p2 =	por !p2, p0  }
0x20: {  	[sflag:s8] =	ssyncset.s32 @!p0 $0xFFFFF086;
	s6 =	sadd.s32 @!p0 s3, s7;
	s7 =	simm.s32 @!p0 $0x108  }
0x21: {  	s3 =	sadd.s32 s3, s9;
	s6 =	sadd.s32 @!p0 $0x88, s6;
	s7 =	simm.s32 @p2 $0x1082  }
0x22: {  	[simem:s7], [sflag:s8] =	dma.local @!p0 [hbm:s6], $0xF7A  }
0x23: {  	s9 =	sor.u32 $0xD0000000, s2;
	s6 =	simm.s32 $0x108;
	_ =	swait.ge @!p0 [sflag:s8], $0x0  }
0x24: {  	s3 =	sadd.s32 $0x88, s3;
	s6 =	simm.s32 @!p1 $0x1082;
	[sflag:s4] =	ssyncset.s32 $0xFFFFF086  }
0x25: {  	[simem:s6], [sflag:s4] =	dma.local [hbm:s3], $0xF7A  }
0x26: {  	[smem:$0x3F9F] =	sst s1;
	(tag) =	ssettag s2;
	_ =	strace s9  }
0x27: {  	s1 =	sld [smem:$0x3FAF]  }
0x28: {  	s2 =	sld [smem:$0x3FB0]  }
0x29: {  	s4 =	sld [smem:$0x3FB2]  }
0x2a: {  	p0 =	seq.s32 s5, $0x0;
	s5 =	sld [smem:$0x3FB3]  }
0x2b: {  	s6 =	sld [smem:$0x3FB4]  }
0x2c: {  	s7 =	sld [smem:$0x3FB5]  }
0x2d: {  	s3 =	simm.s32 $0x108;
	s8 =	sld [smem:$0x3FB6]  }
0x2e: {  	s3 =	simm.s32 @!p0 $0x1082;
	s9 =	sld [smem:$0x3FB7]  }
0x2f: {  	lr =	sadd.s32 s0, s3;
	s0 =	sld [smem:$0x3FAE]  }
0x30: {  	s3 =	sld [smem:$0x3FB1]  }
0x31: {  	[smem:$0x3FBA] =	sst s10  }
0x32: {  	s10 =	sld [smem:$0x3FB8];
	_ =	sdelay $0x3  }
0x33: {  	p0 =	seq.s32 s10, $0x1;
	s10 =	sld [smem:$0x3FBA];
	_ =	sdelay $0x3  }
0x34: {  	[smem:$0x3FBA] =	sst s10  }
0x35: {  	s10 =	sld [smem:$0x3FB9];
	_ =	sdelay $0x3  }
0x36: {  	p1 =	seq.s32 s10, $0x1;
	s10 =	sld [smem:$0x3FBA];
	_ =	sdelay $0x3  }
0x37: {  	[smem:$0x3FBA] =	sst s10  }
0x38: {  	s10 =	sld [smem:$0x3FBB]  }
0x39: {  	_ = 	snop;
	(pc) =	sbr.ind lr, $3  }
0x3a: {  	_ = 	snop  }
0x3b: {  	_ = 	snop  }
0x3c: {  	p2 =	seq.s32 s10, $0x1;
	s10 =	sld [smem:$0x3FBA]  }
0x3d: {  	_ =	shalt  }
0x3e: {  	_ =	shalt  }
0x3f: {  	_ =	shalt  }
0x40: {  	_ =	shalt  }
0x41: {  	_ =	shalt  }
0x42: {  	_ =	shalt  }
0x43: {  	_ =	shalt  }
0x44: {  	_ =	shalt  }
0x45: {  	_ =	shalt  }
0x46: {  	_ =	shalt  }
0x47: {  	_ =	shalt  }
0x48: {  	_ =	shalt  }
0x49: {  	_ =	shalt  }
0x4a: {  	_ =	shalt  }
0x4b: {  	_ =	shalt  }
0x4c: {  	_ =	shalt  }
0x4d: {  	_ =	shalt  }
0x4e: {  	_ =	shalt  }
0x4f: {  	_ =	shalt  }
0x50: {  	_ =	shalt  }
0x51: {  	_ =	shalt  }
0x52: {  	_ =	shalt  }
0x53: {  	_ =	shalt  }
0x54: {  	_ =	shalt  }
0x55: {  	_ =	shalt  }
0x56: {  	_ =	shalt  }
0x57: {  	_ =	shalt  }
0x58: {  	_ =	shalt  }
0x59: {  	_ =	shalt  }
0x5a: {  	_ =	shalt  }
0x5b: {  	_ =	shalt  }
0x5c: {  	_ =	shalt  }
0x5d: {  	_ =	shalt  }
0x5e: {  	_ =	shalt  }
0x5f: {  	_ =	shalt  }
0x60: {  	_ =	shalt  }
0x61: {  	_ =	shalt  }
0x62: {  	_ =	shalt  }
0x63: {  	_ =	shalt  }
0x64: {  	_ =	shalt  }
0x65: {  	_ =	shalt  }
0x66: {  	_ =	shalt  }
0x67: {  	_ =	shalt  }
0x68: {  	_ =	shalt  }
0x69: {  	_ =	shalt  }
0x6a: {  	_ =	shalt  }
0x6b: {  	_ =	shalt  }
0x6c: {  	_ =	shalt  }
0x6d: {  	_ =	shalt  }
0x6e: {  	_ =	shalt  }
0x6f: {  	_ =	shalt  }
0x70: {  	_ =	shalt  }
0x71: {  	_ =	shalt  }
0x72: {  	_ =	shalt  }
0x73: {  	_ =	shalt  }
0x74: {  	_ =	shalt  }
0x75: {  	_ =	shalt  }
0x76: {  	_ =	shalt  }
0x77: {  	_ =	shalt  }
0x78: {  	_ =	shalt  }
0x79: {  	_ =	shalt  }
0x7a: {  	_ =	shalt  }
0x7b: {  	_ =	shalt  }
0x7c: {  	_ =	shalt  }
0x7d: {  	_ =	shalt  }
0x7e: {  	_ =	shalt  }
0x7f: {  	_ =	shalt  }
0x80: {  	_ =	shalt  }
0x81: {  	_ =	shalt  }
0x82: {  	_ =	shalt  }
0x83: {  	_ =	shalt  }
0x84: {  	_ =	shalt  }
0x85: {  	_ =	shalt  }
0x86: {  	_ =	shalt  }
0x87: {  	_ =	shalt  }
.Lfunc_end0:
.L_simem_size_0:
called_computation_lowered:
.L_overlay_start_0:
0x88: {  	s2 =	sld [smem:$0x3FD9]  }
0x89: {  	s3 =	sld [smem:$0x3FFE];
	_ =	sdelay $0x1  }
0x8a: {  	s1 =	srdreg.scid  }
0x8b: {  	s0 =	sand.u32 $0x1, s1  }
0x8c: {  	s18 =	sshll.u32 s0, $0xA;
	s2 =	sadd.s32 s3, s2  }
0x8d: {  	s2 =	sadd.s32 s2, s18  }
0x8e: {  	[smem:$0x3FC6] =	sst s2  }
0x8f: {  	_ = 	snop  }
0x90: {  	s2 =	sld [smem:$0x3FC9]  }
0x91: {  	s19 =	sld [smem:$0x3FC8]  }
0x92: {  	s4 =	sld [smem:$0x3FD0];
	(tm) =	ssettm $0x1  }
0x93: {  	s5 =	sld [smem:$0x3FFB];
	_ =	sdelay $0x3  }
0x94: {  	_ =	strace s5  }
0x95: {  	s5 =	sld [smem:$0x3FFC];
	_ =	sdelay $0x3  }
0x96: {  	_ =	strace s5  }
0x97: {  	s5 =	sld [smem:$0x3FFD];
	_ =	sdelay $0x3  }
0x98: {  	_ =	strace s5  }
0x99: {  	_ =	strace $0x8FFFFFFF  }
0x9a: {  	s20 =	sld [smem:$0x3FDB];
	_ =	sdelay $0x1  }
0x9b: {  	s6 =	simm.s32 $_scs_section_size  }
0x9c: {  	s7 =	simm.s32 $_size__tile_overlayer_lowered;
	s8 =	simm.s32 $_tile_overlayer_lowered  }
0x9d: {  	s23 =	simm.s32 $0x1BFF;
	s22 =	sshll.u32 s8, $0x1;
	s5 =	sadd.s32 s6, s20  }
0x9e: {  	s9 =	simm.s32 $0x0;
	s21 =	sshll.u32 s7, $0x1;
	s7 =	sadd.s32 s22, s5  }
0x9f: {  	[timem:s9], [sflag:s23] =	dma.local [hbm:s7], s21  }
0xa0: {  	_ =	swait.ge [sflag:s23], s21  }
0xa1: {  	s6 =	ssub.s32 $0x0, s21;
	[sflag:s23] =	ssyncset.done $0x0  }
0xa2: {  	[sflag:s23] =	ssyncadd.s32 s6;
	_ =	sdelay $0x1  }
0xa3: {  	s24 =	simm.s32 $0x1B8B  }
0xa4: {  	_ =	swait.ge [sflag:s24], $0x1  }
0xa5: {  	[sflag:s24] =	ssyncset.done $0x0  }
0xa6: {  	s25 =	simm.s32 $0x1B8E;
	[sflag:s24] =	ssyncadd.s32 $0xFFFFFFFF  }
0xa7: {  	s26 =	simm.s32 $execute0_lowered;
	[smem:$0x3FD2] =	sst s25  }
0xa8: {  	s6 =	sshll.u32 s26, $0x1;
	_ =	strace $0x80000046;
	[dreg:$0x1] =	wrdreg $0xFFFFFFFF  }
0xa9: {  	s28 =	simm.s32 $_size_execute0_lowered;
	s5 =	sadd.s32 s5, s6;
	[dreg:$0x0] =	wrdreg $0x0  }
0xaa: {  	s6 =	sshll.u32 s28, $0x1;
	[dreg:$0x2] =	wrdreg s5  }
0xab: {  	[dreg:$0x3] =	wrdreg s6  }
0xac: {  	[dreg:$0x4] =	wrdreg $0xC0  }
0xad: {  	_ =	task [dreg:s9], $0x5FFFF  }
0xae: {  	[dreg:$0x1] =	wrdreg $0xFFFFFFFF  }
0xaf: {  	[dreg:$0x0] =	wrdreg $0x60  }
0xb0: {  	[dreg:$0x2] =	wrdreg s2  }
0xb1: {  	[dreg:$0x3] =	wrdreg s19  }
0xb2: {  	[dreg:$0x4] =	wrdreg s4  }
0xb3: {  	[dreg:$0x5] =	wrdreg $0x9  }
0xb4: {  	_ =	task.clear_ibuf [dreg:s9], $0x6FFFF;
	_ =	strace $0x90000046  }
0xb5: {  	s29 =	simm.s32 $0x9;
	_ =	strace $0x80000048  }
0xb6: {  	_ =	swait.ge [sflag:s29], $0x1  }
0xb7: {  	[sflag:s29] =	ssyncadd.s32 $0xFFFFFFFF  }
0xb8: {  	_ =	strace $0x90000048  }
0xb9: {  	_ =	sfence  }
0xba: {  	s30 =	sld [smem:$0x0];
	_ =	sdelay $0x2  }
0xbb: {  	s31 =	sshll.u32 s1, $0xD;
	s1 =	sshrl.u32 s1, $0x2  }
0xbc: {  	s3 =	sand.u32 $0x4000, s31;
	s1 =	sadd.s32 s1, s30  }
0xbd: {  	s0 =	sor.u32 s3, s0;
	s1 =	sshll.u32 s1, $0x11  }
0xbe: {  	s0 =	sor.u32 s1, s0  }
0xbf: {  	s0 =	sadd.s32 $0x8F2B, s0  }
0xc0: {  	[sflag:s0] =	ssyncadd.remote.s32 $0x1  }
0xc1: {  	_ =	sfence.sel $0xFFFF  }
0xc2: {  	[dreg:$0x0] =	wrdreg $0xFFFFFFFF;
	(pc) =	sbr.abs _section_cstart, $3  }
0xc3: {  	[dreg:$0x1] =	wrdreg $0xFFFFFFFF  }
0xc4: {  	_ =	task.clear_ibuf [dreg:s9], $0x2FFFF;
	_ =	strace $0x9FFFFFFF  }
0xc5: {  	(tm) =	ssettm $0x7FFFFFFF  }
tec
execute0_lowered:
.L_overlay_start_1:
0x0: {  	(tag) =	ssettag $0x1  }
0x1: {  	s1 =	rddreg [dreg:$0x0]  }
0x2: {  	s2 =	rddreg [dreg:$0x1]  }
0x3: {  	s3 =	rddreg [dreg:$0x2];
	s0 =	srdreg.scid  }
0x4: {  	s5 =	simm.s32 $0x0;
	s8 =	stileid.u32;
	s9 =	simm.s32 $0x7B  }
0x5: {  	s14 =	simm.s32 $0x400;
	s15 =	simm.s32 $0x7A1400;
	s16 =	simm.s32 $0x2000  }
0x6: {  	s17 =	simm.s32 $0x1;
	s18 =	simm.s32 $0x4000;
	s19 =	simm.s32 $0x6080  }
0x7: {  	s20 =	simm.s32 $0x2;
	s21 =	simm.s32 $0x8080;
	s22 =	simm.s32 $0x3  }
0x8: {  	s23 =	simm.s32 $0x4;
	s24 =	simm.s32 $0x5;
	s25 =	simm.s32 $0x0  }
0x9: {  	s0 =	sand.u32 $0x1, s0;
	[smem:$0x7FF] =	sst s5;
	s6 =	sshll.u32 s8, $0x1  }
0xa: {  	v0 =	vlaneseq.u32;
	p0 =	slt.u32 s8, $0x2;
	s12 =	sadd.s32 $0x7A1000, s3;
	s4 =	ssub.s32 $0x2, s0  }
.Ltmp0:
0xb: {  	v1 =	vmul.u32 $0x81, v0;
	v9 =	vor.u32 $0x10, v0;
	v10 =	vor.u32 $0x20, v0;
	_ =	strace $0x80000047;
	s0 =	sor.u32 s0, s6;
	(pc) =	sbr.rel .LBB2_1-.Ltmp0, $4  }
0xc: {  	v11 =	vor.u32 $0x30, v0;
	v12 =	vadd.s32 $0x81, v0;
	v13 =	vadd.s32 $0x91, v0;
	s6 =	simm.s32 $0xF5;
	s9 =	simm.s32 @!p0 $0x7A;
	s7 =	sshrl.u32 s4, $0x1  }
0xd: {  	v14 =	vadd.s32 $0xA1, v0;
	v15 =	vadd.s32 $0xB1, v0;
	s6 =	simm.s32 @!p0 $0xF4;
	s31 =	sshll.u32 s0, $0x7;
	s8 =	sshll.u32 s0, $0xA;
	v2 =	vadd.s32 $0x810, v1  }
0xe: {  	s11 =	sshll.u32 s0, $0xD;
	v3 =	vadd.s32 $0x1020, v1;
	v4 =	vadd.s32 $0x1830, v1;
	v5 =	vadd.s32 $0x1, v1;
	s4 =	ssub.s32 s4, s7;
	s7 =	sadd.s32 s1, s31  }
0xf: {  	v6 =	vadd.s32 $0x811, v1;
	v7 =	vadd.s32 $0x1021, v1;
	v8 =	vadd.s32 $0x1831, v1;
	p0 =	sne.s32 s0, $0x0;
	s10 =	sadd.s32 $0x1000, s7;
	s13 =	smax.u32 s4, $0x1  }
.LBB2_13:
0x10: {  	_ =	swait.ge [sflag:s22], $0x2000  }
.Ltmp1:
0x11: {  	[sflag:s22] =	ssyncset.done $0x0;
	(pc) =	sbr.rel @!p0 .LBB2_14-.Ltmp1, $4  }
0x12: {  	[sflag:s22] =	ssyncadd.s32 $0xFFFFE000  }
0x13: {  	_ =	swait.ge [sflag:s23], $0x2000  }
0x14: {  	[sflag:s23] =	ssyncset.done $0x0  }
0x15: {  	[sflag:s23] =	ssyncadd.s32 $0xFFFFE000  }
.LBB2_19:
0x16: {  	s25 =	sadd.s32 $0x1, s25  }
0x17: {  	p1 =	sne.s32 s25, s13  }
.Ltmp2:
0x18: {  	_ = 	snop;
	(pc) =	sbr.rel @!p1 .LBB2_20-.Ltmp2, $1  }
0x19: {  	_ =	sdelay $0x3  }
.LBB2_1:
.Ltmp3:
0x1a: {  	(pc) =	sbr.rel .LBB2_2-.Ltmp3, $4  }
0x1b: {  	_ = 	snop  }
0x1c: {  	[tilespmem:s5], [sflag:$0x1] =	stream.strided.gather [hbm4b:s7+s14], $0x2000, s15, s14, $0x38;
	[tilespmem:$0xA080] =	vst v63  }
0x1d: {  	s26 =	simm.s32 $0x0  }
0x1e: {  	[tilespmem:s16], [sflag:$0x2] =	stream.strided.gather [hbm4b:s10+s14], $0x2000, s15, s14, $0x38;
	[tilespmem:$0xA080] =	vst v63  }
.LBB2_12:
0x1f: {  	s26 =	sadd.s32 $0x1, s26  }
0x20: {  	p1 =	sne.s32 s26, s9  }
.Ltmp4:
0x21: {  	_ = 	snop;
	(pc) =	sbr.rel @!p1 .LBB2_13-.Ltmp4, $1  }
0x22: {  	_ =	sdelay $0x3  }
.LBB2_2:
0x23: {  	_ =	swait.ge [sflag:s17], $0x2000  }
0x24: {  	p1 =	seq.s32 s26, $0x0;
	[sflag:s17] =	ssyncset.done $0x0  }
0x25: {  	s0 =	simm.s32 @!p1 $0x3;
	[sflag:s17] =	ssyncadd.s32 $0xFFFFE000  }
0x26: {  	_ =	swait.ge @!p1 [sflag:s0], $0x2000  }
0x27: {  	[sflag:s0] =	ssyncset.done @!p1 $0x0  }
0x28: {  	s4 =	simm.s32 $0x0;
	[sflag:s0] =	ssyncadd.s32 @!p1 $0xFFFFE000  }
0x29: {  	v16 =	vld [tilespmem:s4+$0x0]  }
0x2a: {  	v17 =	vld [tilespmem:s4+$0x10]  }
0x2b: {  	v18 =	vld [tilespmem:s4+$0x70]  }
0x2c: {  	v19 =	vld [tilespmem:s4+$0x20]  }
0x2d: {  	v20 =	vld [tilespmem:s4+$0x30]  }
0x2e: {  	v21 =	vld [tilespmem:s4+$0x40]  }
0x2f: {  	s30 =	simm.s32 $0x4040;
	v22 =	vld [tilespmem:s4+$0x50]  }
0x30: {  	v23 =	vld [tilespmem:s4+$0x60];
	[tilespmem:s30+$0x30] =	vst v18  }
0x31: {  	[tilespmem:s30+$0xFFFFFFC0] =	vst v16  }
0x32: {  	[tilespmem:s30+$0xFFFFFFD0] =	vst v17  }
0x33: {  	[tilespmem:s30+$0xFFFFFFE0] =	vst v19  }
0x34: {  	[tilespmem:s30+$0xFFFFFFF0] =	vst v20  }
0x35: {  	[tilespmem:s30+$0x0] =	vst v21  }
0x36: {  	[tilespmem:s30+$0x10] =	vst v22  }
0x37: {  	s31 =	simm.s32 $0x80;
	[tilespmem:s30+$0x20] =	vst v23  }
0x38: {  	v16 =	vld [tilespmem:s31+$0x0]  }
0x39: {  	s28 =	sshll.u32 s26, $0x1;
	s29 =	simm.s32 $0x0;
	s0 =	simm.s32 $0x400;
	v17 =	vld [tilespmem:s31+$0x10]  }
.LBB2_3:
0x3a: {  	p2 =	sne.s32 s0, $0x7E00;
	v18 =	vld [tilespmem:s31+$0x70]  }
0x3b: {  	v19 =	vld [tilespmem:s31+$0x20]  }
0x3c: {  	v20 =	vld [tilespmem:s31+$0x30]  }
0x3d: {  	v21 =	vld [tilespmem:s31+$0x40]  }
0x3e: {  	s30 =	sadd.s32 $0x81, s30;
	v22 =	vld [tilespmem:s31+$0x50]  }
0x3f: {  	v23 =	vld [tilespmem:s31+$0x60];
	[tilespmem:s30+$0x30] =	vst v18  }
0x40: {  	[tilespmem:s30+$0xFFFFFFC0] =	vst v16  }
0x41: {  	[tilespmem:s30+$0xFFFFFFD0] =	vst v17  }
0x42: {  	[tilespmem:s30+$0xFFFFFFE0] =	vst v19  }
0x43: {  	[tilespmem:s30+$0xFFFFFFF0] =	vst v20  }
.Ltmp5:
0x44: {  	[tilespmem:s30+$0x0] =	vst v21;
	(pc) =	sbr.rel @p2 .LBB2_3-.Ltmp5, $4  }
0x45: {  	[tilespmem:s30+$0x10] =	vst v22  }
0x46: {  	s31 =	sshra.s32 s0, $0x2;
	[tilespmem:s30+$0x20] =	vst v23  }
0x47: {  	v16 =	vld [tilespmem:s31+$0x0]  }
0x48: {  	s0 =	sadd.s32 $0x200, s0;
	v17 =	vld [tilespmem:s31+$0x10]  }
0x49: {  	v18 =	vld [tilespmem:s31+$0x70]  }
0x4a: {  	v19 =	vld [tilespmem:s31+$0x20]  }
0x4b: {  	v20 =	vld [tilespmem:s31+$0x30]  }
0x4c: {  	v21 =	vld [tilespmem:s31+$0x40]  }
0x4d: {  	v22 =	vld [tilespmem:s31+$0x50];
	s0 =	sadd.s32 $0x81, s30  }
0x4e: {  	v23 =	vld [tilespmem:s31+$0x60];
	[tilespmem:s0+$0xFFFFFFC0] =	vst v16  }
0x4f: {  	[tilespmem:s0+$0xFFFFFFD0] =	vst v17  }
0x50: {  	[tilespmem:s0+$0x30] =	vst v18  }
0x51: {  	v16 =	vadd.s32 s29, v1;
	[tilespmem:s0+$0xFFFFFFE0] =	vst v19  }
0x52: {  	v17 =	vadd.s32 s29, v8;
	[tilespmem:s0+$0xFFFFFFF0] =	vst v20  }
0x53: {  	[tilespmem:s0+$0x0] =	vst v21;
	v18 =	vadd.s32 s29, v2  }
0x54: {  	[tilespmem:s0+$0x10] =	vst v22;
	v19 =	vadd.s32 s29, v3  }
0x55: {  	[tilespmem:s0+$0x20] =	vst v23;
	v20 =	vadd.s32 s29, v4  }
0x56: {  	v21 =	vld.idx.msk [tilespmem:v16+s18+$0x0], $0xffff;
	v16 =	vadd.s32 s29, v5  }
0x57: {  	v22 =	vadd.s32 s29, v6;
	v23 =	vld.idx.msk [tilespmem:v17+s18+$0x0], $0xffff  }
0x58: {  	v17 =	vadd.s32 s29, v7;
	v24 =	vld.idx.msk [tilespmem:v18+s18+$0x0], $0xffff  }
0x59: {  	v19 =	vld.idx.msk [tilespmem:v19+s18+$0x0], $0xffff  }
0x5a: {  	v25 =	vld.idx.msk [tilespmem:v20+s18+$0x0], $0xffff  }
0x5b: {  	v18 =	vld.idx.msk [tilespmem:v16+s18+$0x0], $0xffff  }
0x5c: {  	s29 =	simm.s32 $0x60C0;
	v16 =	vld.idx.msk [tilespmem:v22+s18+$0x0], $0xffff  }
0x5d: {  	v17 =	vld.idx.msk [tilespmem:v17+s18+$0x0], $0xffff;
	[tilespmem:s29+$0x30] =	vst v23  }
0x5e: {  	[tilespmem:s29+$0xFFFFFFC0] =	vst v21  }
0x5f: {  	s30 =	simm.s32 $0x2;
	[tilespmem:s29+$0xFFFFFFD0] =	vst v24  }
0x60: {  	v20 =	vadd.s32 s30, v1;
	[tilespmem:s29+$0xFFFFFFE0] =	vst v19  }
0x61: {  	s31 =	simm.s32 $0x4;
	v19 =	vadd.s32 s30, v8;
	[tilespmem:s29+$0xFFFFFFF0] =	vst v25  }
.LBB2_5:
0x62: {  	p2 =	sne.s32 s31, $0x7E;
	v21 =	vadd.s32 s30, v2;
	[tilespmem:s29+$0x0] =	vst v18  }
0x63: {  	v18 =	vadd.s32 s30, v3;
	[tilespmem:s29+$0x10] =	vst v16  }
0x64: {  	v16 =	vadd.s32 s30, v4;
	[tilespmem:s29+$0x20] =	vst v17  }
0x65: {  	v17 =	vadd.s32 s30, v5;
	v20 =	vld.idx.msk [tilespmem:v20+s18+$0x0], $0xffff  }
0x66: {  	v22 =	vadd.s32 s30, v6;
	v19 =	vld.idx.msk [tilespmem:v19+s18+$0x0], $0xffff  }
0x67: {  	v23 =	vadd.s32 s30, v7;
	s30 =	smov.u32 s31;
	v21 =	vld.idx.msk [tilespmem:v21+s18+$0x0], $0xffff  }
0x68: {  	v24 =	vld.idx.msk [tilespmem:v18+s18+$0x0], $0xffff  }
0x69: {  	v25 =	vld.idx.msk [tilespmem:v16+s18+$0x0], $0xffff  }
0x6a: {  	v18 =	vld.idx.msk [tilespmem:v17+s18+$0x0], $0xffff  }
0x6b: {  	s29 =	sadd.s32 $0x80, s29;
	v16 =	vld.idx.msk [tilespmem:v22+s18+$0x0], $0xffff  }
.Ltmp6:
0x6c: {  	v17 =	vld.idx.msk [tilespmem:v23+s18+$0x0], $0xffff;
	[tilespmem:s29+$0x30] =	vst v19;
	(pc) =	sbr.rel @p2 .LBB2_5-.Ltmp6, $4  }
0x6d: {  	[tilespmem:s29+$0xFFFFFFC0] =	vst v20  }
0x6e: {  	[tilespmem:s29+$0xFFFFFFD0] =	vst v21  }
0x6f: {  	v20 =	vadd.s32 s31, v1;
	[tilespmem:s29+$0xFFFFFFE0] =	vst v24  }
0x70: {  	v19 =	vadd.s32 s30, v8;
	s31 =	sadd.s32 $0x2, s31;
	[tilespmem:s29+$0xFFFFFFF0] =	vst v25  }
0x71: {  	_ = 	snop  }
0x72: {  	v21 =	vadd.s32 s30, v2;
	[tilespmem:s29+$0x0] =	vst v18  }
0x73: {  	v62 =	vadd.s32 s30, v3;
	[tilespmem:s29+$0x10] =	vst v16  }
0x74: {  	v16 =	vadd.s32 s30, v4;
	[tilespmem:s29+$0x20] =	vst v17  }
0x75: {  	v63 =	vadd.s32 s30, v5;
	v17 =	vld.idx.msk [tilespmem:v20+s18+$0x0], $0xffff  }
0x76: {  	v22 =	vadd.s32 s30, v6;
	v19 =	vld.idx.msk [tilespmem:v19+s18+$0x0], $0xffff  }
0x77: {  	v23 =	vadd.s32 s30, v7;
	v21 =	vld.idx.msk [tilespmem:v21+s18+$0x0], $0xffff  }
0x78: {  	v18 =	vld.idx.msk [tilespmem:v62+s18+$0x0], $0xffff  }
0x79: {  	v16 =	vld.idx.msk [tilespmem:v16+s18+$0x0], $0xffff  }
0x7a: {  	v20 =	vld.idx.msk [tilespmem:v63+s18+$0x0], $0xffff  }
0x7b: {  	s0 =	sadd.s32 $0x80, s29;
	v22 =	vld.idx.msk [tilespmem:v22+s18+$0x0], $0xffff  }
0x7c: {  	v23 =	vld.idx.msk [tilespmem:v23+s18+$0x0], $0xffff;
	[tilespmem:s0+$0x30] =	vst v19  }
0x7d: {  	[tilespmem:s0+$0xFFFFFFC0] =	vst v17  }
0x7e: {  	s4 =	sadd.s32 $0x2, s28;
	[tilespmem:s0+$0xFFFFFFD0] =	vst v21  }
0x7f: {  	p2 =	sge.u32 s4, s6;
	[tilespmem:s0+$0xFFFFFFE0] =	vst v18  }
0x80: {  	s4 =	sshll.u32 @!p2 s4, $0xF;
	[tilespmem:s0+$0xFFFFFFF0] =	vst v16  }
0x81: {  	s4 =	sor.u32 @!p2 s8, s4;
	[tilespmem:s0+$0x0] =	vst v20  }
0x82: {  	s29 =	simm.s32 @!p2 $0x7A1400;
	s4 =	sshrl.u32 @!p2 s4, $0x3;
	[tilespmem:s0+$0x10] =	vst v22  }
0x83: {  	s30 =	simm.s32 @!p2 $0x0;
	s4 =	sadd.s32 @!p2 s1, s4;
	[tilespmem:s0+$0x20] =	vst v23;
	s0 =	simm.s32 @!p2 $0x400  }
0x84: {  	[tilespmem:s30], [sflag:$0x1] =	stream.strided.gather @!p2 [hbm4b:s4+s0], $0x2000, s29, s0, $0x38;
	[tilespmem:$0xA080] =	vst v63  }
0x85: {  	s29 =	sor.u32 $0x1, s28  }
0x86: {  	p2 =	sge.u32 s29, s6  }
.Ltmp7:
0x87: {  	s31 =	sshll.u32 s26, $0x13;
	(pc) =	sbr.rel @p2 .LBB2_12-.Ltmp7, $4  }
0x88: {  	s0 =	sor.u32 s11, s31  }
0x89: {  	s0 =	sshrl.u32 s0, $0x3  }
0x8a: {  	s0 =	sadd.s32 s3, s0  }
0x8b: {  	[hbm4b:s0+s5] =	stream.linear.scatter [tilespmem:s19], [sflag:$0x3], $0x2000, $0x38;
	[tilespmem:$0xA080] =	vst v63  }
0x8c: {  	_ =	swait.ge [sflag:s20], $0x2000  }
0x8d: {  	[sflag:s20] =	ssyncset.done $0x0  }
0x8e: {  	s0 =	simm.s32 @!p1 $0x4;
	[sflag:s20] =	ssyncadd.s32 $0xFFFFE000  }
0x8f: {  	_ =	swait.ge @!p1 [sflag:s0], $0x2000  }
0x90: {  	[sflag:s0] =	ssyncset.done @!p1 $0x0  }
0x91: {  	s4 =	simm.s32 $0x0;
	[sflag:s0] =	ssyncadd.s32 @!p1 $0xFFFFE000  }
0x92: {  	v16 =	vld [tilespmem:s4+$0x2000]  }
0x93: {  	v17 =	vld [tilespmem:s4+$0x2010]  }
0x94: {  	v18 =	vld [tilespmem:s4+$0x2070]  }
0x95: {  	v19 =	vld [tilespmem:s4+$0x2020]  }
0x96: {  	v20 =	vld [tilespmem:s4+$0x2030]  }
0x97: {  	v21 =	vld [tilespmem:s4+$0x2040]  }
0x98: {  	s31 =	simm.s32 $0x4040;
	v22 =	vld [tilespmem:s4+$0x2050]  }
0x99: {  	v23 =	vld [tilespmem:s4+$0x2060];
	[tilespmem:s31+$0x30] =	vst v18  }
0x9a: {  	[tilespmem:s31+$0xFFFFFFC0] =	vst v16  }
0x9b: {  	[tilespmem:s31+$0xFFFFFFD0] =	vst v17  }
0x9c: {  	[tilespmem:s31+$0xFFFFFFE0] =	vst v19  }
0x9d: {  	[tilespmem:s31+$0xFFFFFFF0] =	vst v20  }
0x9e: {  	[tilespmem:s31+$0x0] =	vst v21  }
0x9f: {  	[tilespmem:s31+$0x10] =	vst v22  }
0xa0: {  	s4 =	simm.s32 $0x80;
	[tilespmem:s31+$0x20] =	vst v23  }
0xa1: {  	v16 =	vld [tilespmem:s4+$0x2000]  }
0xa2: {  	s30 =	simm.s32 $0x0;
	s0 =	simm.s32 $0x400;
	v17 =	vld [tilespmem:s4+$0x2010]  }
.LBB2_8:
0xa3: {  	p1 =	sne.s32 s0, $0x7E00;
	v18 =	vld [tilespmem:s4+$0x2070]  }
0xa4: {  	v19 =	vld [tilespmem:s4+$0x2020]  }
0xa5: {  	v20 =	vld [tilespmem:s4+$0x2030]  }
0xa6: {  	v21 =	vld [tilespmem:s4+$0x2040]  }
0xa7: {  	s31 =	sadd.s32 $0x81, s31;
	v22 =	vld [tilespmem:s4+$0x2050]  }
0xa8: {  	v23 =	vld [tilespmem:s4+$0x2060];
	[tilespmem:s31+$0x30] =	vst v18  }
0xa9: {  	[tilespmem:s31+$0xFFFFFFC0] =	vst v16  }
0xaa: {  	[tilespmem:s31+$0xFFFFFFD0] =	vst v17  }
0xab: {  	[tilespmem:s31+$0xFFFFFFE0] =	vst v19  }
0xac: {  	[tilespmem:s31+$0xFFFFFFF0] =	vst v20  }
.Ltmp8:
0xad: {  	[tilespmem:s31+$0x0] =	vst v21;
	(pc) =	sbr.rel @p1 .LBB2_8-.Ltmp8, $4  }
0xae: {  	[tilespmem:s31+$0x10] =	vst v22  }
0xaf: {  	s4 =	sshra.s32 s0, $0x2;
	[tilespmem:s31+$0x20] =	vst v23  }
0xb0: {  	v16 =	vld [tilespmem:s4+$0x2000]  }
0xb1: {  	s0 =	sadd.s32 $0x200, s0;
	v17 =	vld [tilespmem:s4+$0x2010]  }
0xb2: {  	v18 =	vld [tilespmem:s4+$0x2070]  }
0xb3: {  	v19 =	vld [tilespmem:s4+$0x2020]  }
0xb4: {  	v20 =	vld [tilespmem:s4+$0x2030]  }
0xb5: {  	v21 =	vld [tilespmem:s4+$0x2040]  }
0xb6: {  	v22 =	vld [tilespmem:s4+$0x2050];
	s0 =	sadd.s32 $0x81, s31  }
0xb7: {  	v23 =	vld [tilespmem:s4+$0x2060];
	[tilespmem:s0+$0xFFFFFFC0] =	vst v16  }
0xb8: {  	[tilespmem:s0+$0xFFFFFFD0] =	vst v17  }
0xb9: {  	[tilespmem:s0+$0x30] =	vst v18  }
0xba: {  	v16 =	vadd.s32 s30, v1;
	[tilespmem:s0+$0xFFFFFFE0] =	vst v19  }
0xbb: {  	v17 =	vadd.s32 s30, v8;
	[tilespmem:s0+$0xFFFFFFF0] =	vst v20  }
0xbc: {  	[tilespmem:s0+$0x0] =	vst v21;
	v18 =	vadd.s32 s30, v2  }
0xbd: {  	[tilespmem:s0+$0x10] =	vst v22;
	v19 =	vadd.s32 s30, v3  }
0xbe: {  	[tilespmem:s0+$0x20] =	vst v23;
	v20 =	vadd.s32 s30, v4  }
0xbf: {  	v21 =	vld.idx.msk [tilespmem:v16+s18+$0x0], $0xffff;
	v16 =	vadd.s32 s30, v5  }
0xc0: {  	v22 =	vadd.s32 s30, v6;
	v23 =	vld.idx.msk [tilespmem:v17+s18+$0x0], $0xffff  }
0xc1: {  	v17 =	vadd.s32 s30, v7;
	v24 =	vld.idx.msk [tilespmem:v18+s18+$0x0], $0xffff  }
0xc2: {  	v19 =	vld.idx.msk [tilespmem:v19+s18+$0x0], $0xffff  }
0xc3: {  	v25 =	vld.idx.msk [tilespmem:v20+s18+$0x0], $0xffff  }
0xc4: {  	v18 =	vld.idx.msk [tilespmem:v16+s18+$0x0], $0xffff  }
0xc5: {  	s30 =	simm.s32 $0x80C0;
	v16 =	vld.idx.msk [tilespmem:v22+s18+$0x0], $0xffff  }
0xc6: {  	v17 =	vld.idx.msk [tilespmem:v17+s18+$0x0], $0xffff;
	[tilespmem:s30+$0x30] =	vst v23  }
0xc7: {  	[tilespmem:s30+$0xFFFFFFC0] =	vst v21  }
0xc8: {  	s31 =	simm.s32 $0x2;
	[tilespmem:s30+$0xFFFFFFD0] =	vst v24  }
0xc9: {  	v20 =	vadd.s32 s31, v1;
	[tilespmem:s30+$0xFFFFFFE0] =	vst v19  }
0xca: {  	s0 =	simm.s32 $0x4;
	v19 =	vadd.s32 s31, v8;
	[tilespmem:s30+$0xFFFFFFF0] =	vst v25  }
.LBB2_10:
0xcb: {  	p1 =	sne.s32 s0, $0x7E;
	v21 =	vadd.s32 s31, v2;
	[tilespmem:s30+$0x0] =	vst v18  }
0xcc: {  	v18 =	vadd.s32 s31, v3;
	[tilespmem:s30+$0x10] =	vst v16  }
0xcd: {  	v16 =	vadd.s32 s31, v4;
	[tilespmem:s30+$0x20] =	vst v17  }
0xce: {  	v17 =	vadd.s32 s31, v5;
	v20 =	vld.idx.msk [tilespmem:v20+s18+$0x0], $0xffff  }
0xcf: {  	v22 =	vadd.s32 s31, v6;
	v19 =	vld.idx.msk [tilespmem:v19+s18+$0x0], $0xffff  }
0xd0: {  	v23 =	vadd.s32 s31, v7;
	s31 =	smov.u32 s0;
	v21 =	vld.idx.msk [tilespmem:v21+s18+$0x0], $0xffff  }
0xd1: {  	v24 =	vld.idx.msk [tilespmem:v18+s18+$0x0], $0xffff  }
0xd2: {  	v25 =	vld.idx.msk [tilespmem:v16+s18+$0x0], $0xffff  }
0xd3: {  	v18 =	vld.idx.msk [tilespmem:v17+s18+$0x0], $0xffff  }
0xd4: {  	s30 =	sadd.s32 $0x80, s30;
	v16 =	vld.idx.msk [tilespmem:v22+s18+$0x0], $0xffff  }
.Ltmp9:
0xd5: {  	v17 =	vld.idx.msk [tilespmem:v23+s18+$0x0], $0xffff;
	[tilespmem:s30+$0x30] =	vst v19;
	(pc) =	sbr.rel @p1 .LBB2_10-.Ltmp9, $4  }
0xd6: {  	[tilespmem:s30+$0xFFFFFFC0] =	vst v20  }
0xd7: {  	[tilespmem:s30+$0xFFFFFFD0] =	vst v21  }
0xd8: {  	v20 =	vadd.s32 s0, v1;
	[tilespmem:s30+$0xFFFFFFE0] =	vst v24  }
0xd9: {  	v19 =	vadd.s32 s31, v8;
	s0 =	sadd.s32 $0x2, s0;
	[tilespmem:s30+$0xFFFFFFF0] =	vst v25  }
0xda: {  	_ = 	snop  }
0xdb: {  	v21 =	vadd.s32 s31, v2;
	[tilespmem:s30+$0x0] =	vst v18  }
0xdc: {  	v62 =	vadd.s32 s31, v3;
	[tilespmem:s30+$0x10] =	vst v16  }
0xdd: {  	v16 =	vadd.s32 s31, v4;
	[tilespmem:s30+$0x20] =	vst v17  }
0xde: {  	v63 =	vadd.s32 s31, v5;
	v17 =	vld.idx.msk [tilespmem:v20+s18+$0x0], $0xffff  }
0xdf: {  	v22 =	vadd.s32 s31, v6;
	v19 =	vld.idx.msk [tilespmem:v19+s18+$0x0], $0xffff  }
0xe0: {  	v23 =	vadd.s32 s31, v7;
	v21 =	vld.idx.msk [tilespmem:v21+s18+$0x0], $0xffff  }
0xe1: {  	v18 =	vld.idx.msk [tilespmem:v62+s18+$0x0], $0xffff  }
0xe2: {  	v16 =	vld.idx.msk [tilespmem:v16+s18+$0x0], $0xffff  }
0xe3: {  	v20 =	vld.idx.msk [tilespmem:v63+s18+$0x0], $0xffff  }
0xe4: {  	s0 =	sadd.s32 $0x80, s30;
	v22 =	vld.idx.msk [tilespmem:v22+s18+$0x0], $0xffff  }
0xe5: {  	v23 =	vld.idx.msk [tilespmem:v23+s18+$0x0], $0xffff;
	[tilespmem:s0+$0x30] =	vst v19  }
0xe6: {  	[tilespmem:s0+$0xFFFFFFC0] =	vst v17  }
0xe7: {  	s4 =	sadd.s32 $0x3, s28;
	[tilespmem:s0+$0xFFFFFFD0] =	vst v21  }
0xe8: {  	p1 =	sge.u32 s4, s6;
	[tilespmem:s0+$0xFFFFFFE0] =	vst v18  }
0xe9: {  	s4 =	sshll.u32 @!p1 s4, $0xF;
	[tilespmem:s0+$0xFFFFFFF0] =	vst v16  }
0xea: {  	s4 =	sor.u32 @!p1 s8, s4;
	[tilespmem:s0+$0x0] =	vst v20  }
0xeb: {  	s28 =	simm.s32 @!p1 $0x7A1400;
	s4 =	sshrl.u32 @!p1 s4, $0x3;
	[tilespmem:s0+$0x10] =	vst v22  }
0xec: {  	s30 =	simm.s32 @!p1 $0x2000;
	s4 =	sadd.s32 @!p1 s1, s4;
	[tilespmem:s0+$0x20] =	vst v23;
	s0 =	simm.s32 @!p1 $0x400  }
0xed: {  	[tilespmem:s30], [sflag:$0x2] =	stream.strided.gather @!p1 [hbm4b:s4+s0], $0x2000, s28, s0, $0x38;
	[tilespmem:$0xA080] =	vst v63  }
.Ltmp10:
0xee: {  	s31 =	sshll.u32 s29, $0x12;
	(pc) =	sbr.rel .LBB2_12-.Ltmp10, $4  }
0xef: {  	s0 =	sor.u32 s11, s31  }
0xf0: {  	s0 =	sshrl.u32 s0, $0x3  }
0xf1: {  	s0 =	sadd.s32 s3, s0  }
0xf2: {  	[hbm4b:s0+s5] =	stream.linear.scatter [tilespmem:s21], [sflag:$0x4], $0x2000, $0x38;
	[tilespmem:$0xA080] =	vst v63  }
.LBB2_14:
0xf3: {  	s26 =	simm.s32 $0x0  }
0xf4: {  	[tilespmem:s26], [sflag:$0x5] =	stream.linear.gather [hbm4b:s2+s26], $0x2000, $0x38;
	[tilespmem:$0xA080] =	vst v63  }
0xf5: {  	_ =	swait.ge [sflag:s24], $0x2000  }
0xf6: {  	[sflag:s24] =	ssyncset.done $0x0  }
0xf7: {  	s0 =	simm.s32 $0x0;
	[sflag:s24] =	ssyncadd.s32 $0xFFFFE000  }
0xf8: {  	v16 =	vld [tilespmem:s0+$0x0]  }
0xf9: {  	v17 =	vld [tilespmem:s0+$0x10]  }
0xfa: {  	v18 =	vld [tilespmem:s0+$0x70]  }
0xfb: {  	v19 =	vld [tilespmem:s0+$0x20]  }
0xfc: {  	v20 =	vld [tilespmem:s0+$0x30]  }
0xfd: {  	v21 =	vld [tilespmem:s0+$0x40]  }
0xfe: {  	s28 =	simm.s32 $0x4040;
	v22 =	vld [tilespmem:s0+$0x50]  }
0xff: {  	v23 =	vld [tilespmem:s0+$0x60];
	[tilespmem:s28+$0x30] =	vst v18  }
0x100: {  	[tilespmem:s28+$0xFFFFFFC0] =	vst v16  }
0x101: {  	[tilespmem:s28+$0xFFFFFFD0] =	vst v17  }
0x102: {  	[tilespmem:s28+$0xFFFFFFE0] =	vst v19  }
0x103: {  	[tilespmem:s28+$0xFFFFFFF0] =	vst v20  }
0x104: {  	[tilespmem:s28+$0x0] =	vst v21  }
0x105: {  	[tilespmem:s28+$0x10] =	vst v22  }
0x106: {  	s4 =	simm.s32 $0x80;
	[tilespmem:s28+$0x20] =	vst v23  }
0x107: {  	v16 =	vld [tilespmem:s4+$0x0]  }
0x108: {  	s0 =	simm.s32 $0x400;
	v17 =	vld [tilespmem:s4+$0x10]  }
.LBB2_15:
0x109: {  	p1 =	sne.s32 s0, $0x7E00;
	v18 =	vld [tilespmem:s4+$0x70]  }
0x10a: {  	v19 =	vld [tilespmem:s4+$0x20]  }
0x10b: {  	v20 =	vld [tilespmem:s4+$0x30]  }
0x10c: {  	v21 =	vld [tilespmem:s4+$0x40]  }
0x10d: {  	s28 =	sadd.s32 $0x81, s28;
	v22 =	vld [tilespmem:s4+$0x50]  }
0x10e: {  	v23 =	vld [tilespmem:s4+$0x60];
	[tilespmem:s28+$0x30] =	vst v18  }
0x10f: {  	[tilespmem:s28+$0xFFFFFFC0] =	vst v16  }
0x110: {  	[tilespmem:s28+$0xFFFFFFD0] =	vst v17  }
0x111: {  	[tilespmem:s28+$0xFFFFFFE0] =	vst v19  }
0x112: {  	[tilespmem:s28+$0xFFFFFFF0] =	vst v20  }
.Ltmp11:
0x113: {  	[tilespmem:s28+$0x0] =	vst v21;
	(pc) =	sbr.rel @p1 .LBB2_15-.Ltmp11, $4  }
0x114: {  	[tilespmem:s28+$0x10] =	vst v22  }
0x115: {  	s4 =	sshra.s32 s0, $0x2;
	[tilespmem:s28+$0x20] =	vst v23  }
0x116: {  	v16 =	vld [tilespmem:s4+$0x0]  }
0x117: {  	s0 =	sadd.s32 $0x200, s0;
	v17 =	vld [tilespmem:s4+$0x10]  }
0x118: {  	v18 =	vld [tilespmem:s4+$0x70]  }
0x119: {  	v19 =	vld [tilespmem:s4+$0x20]  }
0x11a: {  	v20 =	vld [tilespmem:s4+$0x30]  }
0x11b: {  	v21 =	vld [tilespmem:s4+$0x40]  }
0x11c: {  	v22 =	vld [tilespmem:s4+$0x50];
	s0 =	sadd.s32 $0x81, s28  }
0x11d: {  	v23 =	vld [tilespmem:s4+$0x60];
	[tilespmem:s0+$0xFFFFFFC0] =	vst v16  }
0x11e: {  	[tilespmem:s0+$0xFFFFFFD0] =	vst v17  }
0x11f: {  	[tilespmem:s0+$0x30] =	vst v18  }
0x120: {  	v16 =	vadd.s32 s26, v0;
	[tilespmem:s0+$0xFFFFFFE0] =	vst v19  }
0x121: {  	v17 =	vadd.s32 s26, v15;
	[tilespmem:s0+$0xFFFFFFF0] =	vst v20  }
0x122: {  	[tilespmem:s0+$0x0] =	vst v21;
	v18 =	vadd.s32 s26, v9  }
0x123: {  	[tilespmem:s0+$0x10] =	vst v22;
	v19 =	vadd.s32 s26, v10  }
0x124: {  	[tilespmem:s0+$0x20] =	vst v23;
	v20 =	vadd.s32 s26, v11  }
0x125: {  	v21 =	vld.idx.msk [tilespmem:v16+s18+$0x0], $0xffff;
	v16 =	vadd.s32 s26, v12  }
0x126: {  	v22 =	vadd.s32 s26, v13;
	v23 =	vld.idx.msk [tilespmem:v17+s18+$0x0], $0xffff  }
0x127: {  	v17 =	vadd.s32 s26, v14;
	v24 =	vld.idx.msk [tilespmem:v18+s18+$0x0], $0xffff  }
0x128: {  	v19 =	vld.idx.msk [tilespmem:v19+s18+$0x0], $0xffff  }
0x129: {  	v25 =	vld.idx.msk [tilespmem:v20+s18+$0x0], $0xffff  }
0x12a: {  	v18 =	vld.idx.msk [tilespmem:v16+s18+$0x0], $0xffff  }
0x12b: {  	s26 =	simm.s32 $0x60C0;
	v16 =	vld.idx.msk [tilespmem:v22+s18+$0x0], $0xffff  }
0x12c: {  	v17 =	vld.idx.msk [tilespmem:v17+s18+$0x0], $0xffff;
	[tilespmem:s26+$0x30] =	vst v23  }
0x12d: {  	[tilespmem:s26+$0xFFFFFFC0] =	vst v21  }
0x12e: {  	s28 =	simm.s32 $0x102;
	[tilespmem:s26+$0xFFFFFFD0] =	vst v24  }
0x12f: {  	v20 =	vadd.s32 s28, v0;
	[tilespmem:s26+$0xFFFFFFE0] =	vst v19  }
0x130: {  	s0 =	simm.s32 $0x204;
	v19 =	vadd.s32 s28, v15;
	[tilespmem:s26+$0xFFFFFFF0] =	vst v25  }
.LBB2_17:
0x131: {  	p1 =	sne.s32 s0, $0x1F3E;
	v21 =	vadd.s32 s28, v9;
	[tilespmem:s26+$0x0] =	vst v18  }
0x132: {  	v18 =	vadd.s32 s28, v10;
	[tilespmem:s26+$0x10] =	vst v16  }
0x133: {  	v16 =	vadd.s32 s28, v11;
	[tilespmem:s26+$0x20] =	vst v17  }
0x134: {  	v17 =	vadd.s32 s28, v12;
	v20 =	vld.idx.msk [tilespmem:v20+s18+$0x0], $0xffff  }
0x135: {  	v22 =	vadd.s32 s28, v13;
	v19 =	vld.idx.msk [tilespmem:v19+s18+$0x0], $0xffff  }
0x136: {  	v23 =	vadd.s32 s28, v14;
	s28 =	smov.u32 s0;
	v21 =	vld.idx.msk [tilespmem:v21+s18+$0x0], $0xffff  }
0x137: {  	v24 =	vld.idx.msk [tilespmem:v18+s18+$0x0], $0xffff  }
0x138: {  	v25 =	vld.idx.msk [tilespmem:v16+s18+$0x0], $0xffff  }
0x139: {  	v18 =	vld.idx.msk [tilespmem:v17+s18+$0x0], $0xffff  }
0x13a: {  	s26 =	sadd.s32 $0x80, s26;
	v16 =	vld.idx.msk [tilespmem:v22+s18+$0x0], $0xffff  }
.Ltmp12:
0x13b: {  	v17 =	vld.idx.msk [tilespmem:v23+s18+$0x0], $0xffff;
	[tilespmem:s26+$0x30] =	vst v19;
	(pc) =	sbr.rel @p1 .LBB2_17-.Ltmp12, $4  }
0x13c: {  	[tilespmem:s26+$0xFFFFFFC0] =	vst v20  }
0x13d: {  	[tilespmem:s26+$0xFFFFFFD0] =	vst v21  }
0x13e: {  	v20 =	vadd.s32 s0, v0;
	[tilespmem:s26+$0xFFFFFFE0] =	vst v24  }
0x13f: {  	v19 =	vadd.s32 s28, v15;
	s0 =	sadd.s32 $0x102, s0;
	[tilespmem:s26+$0xFFFFFFF0] =	vst v25  }
0x140: {  	_ = 	snop  }
0x141: {  	v21 =	vadd.s32 s28, v9;
	[tilespmem:s26+$0x0] =	vst v18  }
0x142: {  	v62 =	vadd.s32 s28, v10;
	[tilespmem:s26+$0x10] =	vst v16  }
0x143: {  	v16 =	vadd.s32 s28, v11;
	[tilespmem:s26+$0x20] =	vst v17  }
0x144: {  	v63 =	vadd.s32 s28, v12;
	v17 =	vld.idx.msk [tilespmem:v20+s18+$0x0], $0xffff  }
0x145: {  	v22 =	vadd.s32 s28, v13;
	v19 =	vld.idx.msk [tilespmem:v19+s18+$0x0], $0xffff  }
0x146: {  	v23 =	vadd.s32 s28, v14;
	v21 =	vld.idx.msk [tilespmem:v21+s18+$0x0], $0xffff  }
0x147: {  	v18 =	vld.idx.msk [tilespmem:v62+s18+$0x0], $0xffff  }
0x148: {  	v16 =	vld.idx.msk [tilespmem:v16+s18+$0x0], $0xffff  }
0x149: {  	v20 =	vld.idx.msk [tilespmem:v63+s18+$0x0], $0xffff  }
0x14a: {  	s0 =	sadd.s32 $0x80, s26;
	v22 =	vld.idx.msk [tilespmem:v22+s18+$0x0], $0xffff  }
0x14b: {  	v23 =	vld.idx.msk [tilespmem:v23+s18+$0x0], $0xffff;
	[tilespmem:s0+$0x30] =	vst v19  }
0x14c: {  	[tilespmem:s0+$0xFFFFFFC0] =	vst v17  }
0x14d: {  	[tilespmem:s0+$0xFFFFFFD0] =	vst v21  }
0x14e: {  	[tilespmem:s0+$0xFFFFFFE0] =	vst v18  }
0x14f: {  	[tilespmem:s0+$0xFFFFFFF0] =	vst v16  }
0x150: {  	[tilespmem:s0+$0x0] =	vst v20  }
0x151: {  	[tilespmem:s0+$0x10] =	vst v22  }
.Ltmp13:
0x152: {  	[tilespmem:s0+$0x20] =	vst v23;
	(pc) =	sbr.rel .LBB2_19-.Ltmp13, $4  }
0x153: {  	[hbm4b:s12+s5] =	stream.linear.scatter [tilespmem:s19], [sflag:$0x5], $0x1000, $0x38;
	[tilespmem:$0xA080] =	vst v63  }
0x154: {  	_ =	swait.ge [sflag:s24], $0x1000  }
0x155: {  	[sflag:s24] =	ssyncset.done $0x0  }
0x156: {  	[sflag:s24] =	ssyncadd.s32 $0xFFFFF000  }
.LBB2_20:
0x157: {  	_ =	sfence.sel $0x180000  }
0x158: {  	[bflag:$0x0] =	sbarrier.arrive $0xFFFF  }
0x159: {  	_ =	strace $0x90000047  }
0x15a: {  	s0 =	stileid.u32;
	[bflag:$0x2] =	sbarrier.arrive $0xFFFF  }
0x15b: {  	p0 =	sne.s32 s0, $0x0;
	s0 =	rddreg [dreg:$0x3]  }
0x15c: {  	s0 =	sadd.s32 @!p0 $0x100000, s0  }
0x15d: {  	[sflag:s0] =	ssyncadd.tile.s32 @!p0 $0x1;
	_ =	shalt  }
.Lfunc_end2:
_tile_overlayer_lowered:
.L_overlay_start_2:
0x15e: {  	(tag) =	ssettag $0x2  }
0x15f: {  	s0 =	rddreg [dreg:$0x0];
	s2 =	stileid.u32  }
0x160: {  	s1 =	rddreg [dreg:$0x1];
	p0 =	sne.s32 s2, $0x0  }
0x161: {  	s3 =	rddreg [dreg:$0x2];
	[bflag:$0x3] =	sbarrier.arrive $0xFFFF;
	s2 =	simm.s32 @!p0 $0x1C05  }
0x162: {  	[timem:s3], [sflag:s2] =	dma.local @!p0 [hbm:s0], s1  }
0x163: {  	s0 =	simm.s32 @!p0 $0x5  }
0x164: {  	_ =	swait.ge @!p0 [sflag:s0], s1  }
0x165: {  	s1 =	ssub.s32 @!p0 $0x0, s1;
	[sflag:s0] =	ssyncset.done @!p0 $0x0  }
0x166: {  	[sflag:s0] =	ssyncadd.s32 @!p0 s1  }
0x167: {  	[bflag:$0x3] =	sbarrier.arrive $0xFFFF  }
0x168: {  	_ =	shalt  }

</sc_bundles>
